<compile_context>
chip_gen: v7x
topology: tpu7x:2x2x1
jax: 0.10.2.dev20260603
libtpu: 0.0.44.dev20260713+nightly
codegen_flags: <defaults>
</compile_context>

<pallas_src>
import functools

import jax
import jax.numpy as jnp
from jax import lax
from jax.experimental import pallas as pl
from jax.experimental.pallas import tpu as pltpu
from jax.experimental.pallas import tpu_sc as plsc

_NC = 2
_NS = 16
_NW = _NC * _NS
_L = 16


def _make_gather(B, C, H, W, P):
    planes = B * C
    assert planes % _NW == 0
    planes_per_w = planes // _NW
    n_chunks_p = (P + _L - 1) // _L
    p_vreg = n_chunks_p * _L
    p_out = ((P + 7) // 8) * 8
    p_str = 128
    n_idx = planes_per_w * p_vreg
    n_val = planes_per_w * p_str

    mesh = plsc.VectorSubcoreMesh(core_axis_name="c", subcore_axis_name="s")

    @functools.partial(
        pl.kernel,
        mesh=mesh,
        out_type=jax.ShapeDtypeStruct((planes * p_str,), jnp.float32),
        scratch_types=[
            pltpu.VMEM((p_vreg,), jnp.int32),
            pltpu.VMEM((p_vreg,), jnp.int32),
            pltpu.VMEM((n_idx,), jnp.int32),
            pltpu.VMEM((n_val,), jnp.float32),
            pltpu.SemaphoreType.DMA,
        ],
    )
    def gather_kernel(px_hbm, py_hbm, x_hbm, out_hbm, px_v, py_v, idx_v,
                      val_v, sem):
        wid = lax.axis_index("s") * _NC + lax.axis_index("c")
        cx = pltpu.async_copy(px_hbm, px_v.at[pl.ds(0, P)], sem)
        cy = pltpu.async_copy(py_hbm, py_v.at[pl.ds(0, P)], sem)
        cx.wait()
        cy.wait()

        pb = []
        for i in range(n_chunks_p):
            pxc = px_v[pl.ds(i * _L, _L)]
            pyc = py_v[pl.ds(i * _L, _L)]
            off = ((pxc >> 3) * ((W // 128) * 1024) + (pyc >> 7) * 1024
                   + (pxc & 7) * 128 + (pyc & 127))
            if (i + 1) * _L > P:
                lane = lax.iota(jnp.int32, _L)
                off = jnp.where(lane < (P - i * _L), off, 0)
            pb.append(off)

        base_plane = wid * planes_per_w
        for j in range(planes_per_w):
            off = (base_plane + j) * (H * W)
            for i in range(n_chunks_p):
                idx_v[pl.ds(j * p_vreg + i * _L, _L)] = pb[i] + off

        copies = []
        for j in range(planes_per_w):
            copies.append(pltpu.async_copy(
                x_hbm.at[idx_v.at[pl.ds(j * p_vreg, p_out)]],
                val_v.at[pl.ds(j * p_str, p_out)],
                sem))
        for cp in copies:
            cp.wait()

        pltpu.sync_copy(val_v, out_hbm.at[pl.ds(wid * n_val, n_val)])

    return gather_kernel


def kernel(x, probe_x, probe_y):
    B, C, H, W = x.shape
    P = probe_x.shape[0]
    x_flat = (x.reshape(B, C, H // 8, 8, W // 128, 128)
               .transpose(0, 1, 2, 4, 3, 5)
               .reshape(-1))
    out_flat = _make_gather(B, C, H, W, P)(probe_x, probe_y, x_flat)
    return out_flat.reshape(B, C, 128)[:, :, :P]

# --- scband reference (transcript-rebuilt; emitter-appended) ---
"""Pipeline reference for scband-probe-21646635172692 (READ-ONLY COPY).

The authoritative reference and input builder live on the scoring server;
editing this copy changes nothing except your own understanding.
"""

import jax, jax.numpy as jnp
import numpy as np


def setup_inputs(seed: int = 0) -> dict:
    key = jax.random.key(seed)
    x = jax.random.normal(key, (4, 96, 512, 512), dtype=jnp.float32)
    probe_x = jnp.arange(0, 500, 5, dtype=jnp.int32)  # 100 probe row coords, buffer from __init__
    probe_y = jnp.arange(0, 400, 4, dtype=jnp.int32)  # 100 probe col coords, buffer from __init__
    return {"x": x, "probe_x": probe_x, "probe_y": probe_y}


def reference(x, probe_x, probe_y):
    # Probe.forward: advanced indexing gather of (probe_x[i], probe_y[i]) pairs
    # from the last two (spatial) dims -> shape [B, C, P]
    return x[:, :, probe_x, probe_y]

if __name__ == "__main__":
    import jax
    _d = setup_inputs()
    print(jax.jit(kernel)(*tuple(_d.values())))

</pallas_src>

<mosaic_0001>
#map = affine_map<(d0, d1) -> (0)>
module attributes {stable_mosaic.version = 14 : i64} {
  func.func @gather_kernel(%arg0: i32, %arg1: i32, %arg2: memref<100xi32, #tpu.memory_space<hbm>>, %arg3: memref<100xi32, #tpu.memory_space<hbm>>, %arg4: memref<100663296xf32, #tpu.memory_space<hbm>>, %arg5: memref<49152xf32, #tpu.memory_space<hbm>>, %arg6: memref<112xi32, #tpu.memory_space<vmem>>, %arg7: memref<112xi32, #tpu.memory_space<vmem>>, %arg8: memref<1344xi32, #tpu.memory_space<vmem>>, %arg9: memref<1536xf32, #tpu.memory_space<vmem>>, %arg10: memref<!tpu.dma_semaphore, #tpu.memory_space<semaphore_mem>>) attributes {dimension_semantics = [#tpu.dimension_semantics<core_parallel>, #tpu.dimension_semantics<subcore_parallel>], iteration_bounds = array<i64: 2, 16>, scalar_prefetch = 0 : i64, scratch_operands = 5 : i64, tpu.core_type = #tpu.core_type<sc_vector_subcore>, window_params = [{transform_indices = #map}, {transform_indices = #map}, {transform_indices = #map}, {transform_indices = #map}]} {
    %mul3A = arith.constant 2 : i32
    %mul3A_0 = arith.muli %arg1, %mul3A : i32
    %add3A = arith.addi %mul3A_0, %arg0 : i32
    %dma_start3A = arith.constant 0 : i32
    %dma_start3A_1 = tpu.memref_slice %arg6[%dma_start3A] : memref<112xi32, #tpu.memory_space<vmem>> -> memref<100xi32, #tpu.memory_space<vmem>>
    %dma_start3A_2 = arith.constant 0 : i32
    %dma_start3A_3 = tpu.memref_slice %arg6[%dma_start3A_2] : memref<112xi32, #tpu.memory_space<vmem>> -> memref<100xi32, #tpu.memory_space<vmem>>
    tpu.enqueue_dma source(%arg2 : memref<100xi32, #tpu.memory_space<hbm>>) target(%dma_start3A_3 : memref<100xi32, #tpu.memory_space<vmem>>) target_semaphore(%arg10 : memref<!tpu.dma_semaphore, #tpu.memory_space<semaphore_mem>>)
    %dma_start3A_4 = arith.constant 0 : i32
    %dma_start3A_5 = tpu.memref_slice %arg7[%dma_start3A_4] : memref<112xi32, #tpu.memory_space<vmem>> -> memref<100xi32, #tpu.memory_space<vmem>>
    %dma_start3A_6 = arith.constant 0 : i32
    %dma_start3A_7 = tpu.memref_slice %arg7[%dma_start3A_6] : memref<112xi32, #tpu.memory_space<vmem>> -> memref<100xi32, #tpu.memory_space<vmem>>
    tpu.enqueue_dma source(%arg3 : memref<100xi32, #tpu.memory_space<hbm>>) target(%dma_start3A_7 : memref<100xi32, #tpu.memory_space<vmem>>) target_semaphore(%arg10 : memref<!tpu.dma_semaphore, #tpu.memory_space<semaphore_mem>>)
    %dma_wait3A = arith.constant 0 : i32
    %dma_wait3A_8 = tpu.memref_slice %arg6[%dma_wait3A] : memref<112xi32, #tpu.memory_space<vmem>> -> memref<100xi32, #tpu.memory_space<vmem>>
    %dma_wait3A_9 = arith.constant 0 : i32
    %dma_wait3A_10 = tpu.memref_slice %arg6[%dma_wait3A_9] : memref<112xi32, #tpu.memory_space<vmem>> -> memref<100xi32, #tpu.memory_space<vmem>>
    tpu.wait_dma2 semaphore(%arg10 : memref<!tpu.dma_semaphore, #tpu.memory_space<semaphore_mem>>) src(%arg2 : memref<100xi32, #tpu.memory_space<hbm>>) dst(%dma_wait3A_10 : memref<100xi32, #tpu.memory_space<vmem>>)
    %dma_wait3A_11 = arith.constant 0 : i32
    %dma_wait3A_12 = tpu.memref_slice %arg7[%dma_wait3A_11] : memref<112xi32, #tpu.memory_space<vmem>> -> memref<100xi32, #tpu.memory_space<vmem>>
    %dma_wait3A_13 = arith.constant 0 : i32
    %dma_wait3A_14 = tpu.memref_slice %arg7[%dma_wait3A_13] : memref<112xi32, #tpu.memory_space<vmem>> -> memref<100xi32, #tpu.memory_space<vmem>>
    tpu.wait_dma2 semaphore(%arg10 : memref<!tpu.dma_semaphore, #tpu.memory_space<semaphore_mem>>) src(%arg3 : memref<100xi32, #tpu.memory_space<hbm>>) dst(%dma_wait3A_14 : memref<100xi32, #tpu.memory_space<vmem>>)
    %get3A = arith.constant 0 : index
    %get3A_15 = tpu.vector_load %arg6[%get3A] {strides = array<i32>} : memref<112xi32, #tpu.memory_space<vmem>>, vector<16xi32>,
    %get3A_16 = vector.shape_cast %get3A_15 : vector<16xi32> to vector<16xi32>
    %get3A_17 = arith.constant 0 : index
    %get3A_18 = tpu.vector_load %arg7[%get3A_17] {strides = array<i32>} : memref<112xi32, #tpu.memory_space<vmem>>, vector<16xi32>,
    %get3A_19 = vector.shape_cast %get3A_18 : vector<16xi32> to vector<16xi32>
    %shift_right_arithmetic3A = arith.constant 3 : i32
    %shift_right_arithmetic3A_20 = vector.broadcast %shift_right_arithmetic3A : i32 to vector<16xi32>
    %shift_right_arithmetic3A_21 = arith.shrsi %get3A_16, %shift_right_arithmetic3A_20 : vector<16xi32>
    %mul3A_22 = arith.constant 4096 : i32
    %mul3A_23 = vector.broadcast %mul3A_22 : i32 to vector<16xi32>
    %mul3A_24 = arith.muli %shift_right_arithmetic3A_21, %mul3A_23 : vector<16xi32>
    %shift_right_arithmetic3A_25 = arith.constant 7 : i32
    %shift_right_arithmetic3A_26 = vector.broadcast %shift_right_arithmetic3A_25 : i32 to vector<16xi32>
    %shift_right_arithmetic3A_27 = arith.shrsi %get3A_19, %shift_right_arithmetic3A_26 : vector<16xi32>
    %mul3A_28 = arith.constant 1024 : i32
    %mul3A_29 = vector.broadcast %mul3A_28 : i32 to vector<16xi32>
    %mul3A_30 = arith.muli %shift_right_arithmetic3A_27, %mul3A_29 : vector<16xi32>
    %add3A_31 = arith.addi %mul3A_24, %mul3A_30 : vector<16xi32>
    %and3A = arith.constant 7 : i32
    %and3A_32 = vector.broadcast %and3A : i32 to vector<16xi32>
    %and3A_33 = arith.andi %get3A_16, %and3A_32 : vector<16xi32>
    %mul3A_34 = arith.constant 128 : i32
    %mul3A_35 = vector.broadcast %mul3A_34 : i32 to vector<16xi32>
    %mul3A_36 = arith.muli %and3A_33, %mul3A_35 : vector<16xi32>
    %add3A_37 = arith.addi %add3A_31, %mul3A_36 : vector<16xi32>
    %and3A_38 = arith.constant 127 : i32
    %and3A_39 = vector.broadcast %and3A_38 : i32 to vector<16xi32>
    %and3A_40 = arith.andi %get3A_19, %and3A_39 : vector<16xi32>
    %add3A_41 = arith.addi %add3A_37, %and3A_40 : vector<16xi32>
    %get3A_42 = arith.constant 16 : index
    %get3A_43 = tpu.vector_load %arg6[%get3A_42] {strides = array<i32>} : memref<112xi32, #tpu.memory_space<vmem>>, vector<16xi32>,
    %get3A_44 = vector.shape_cast %get3A_43 : vector<16xi32> to vector<16xi32>
    %get3A_45 = arith.constant 16 : index
    %get3A_46 = tpu.vector_load %arg7[%get3A_45] {strides = array<i32>} : memref<112xi32, #tpu.memory_space<vmem>>, vector<16xi32>,
    %get3A_47 = vector.shape_cast %get3A_46 : vector<16xi32> to vector<16xi32>
    %shift_right_arithmetic3A_48 = arith.constant 3 : i32
    %shift_right_arithmetic3A_49 = vector.broadcast %shift_right_arithmetic3A_48 : i32 to vector<16xi32>
    %shift_right_arithmetic3A_50 = arith.shrsi %get3A_44, %shift_right_arithmetic3A_49 : vector<16xi32>
    %mul3A_51 = arith.constant 4096 : i32
    %mul3A_52 = vector.broadcast %mul3A_51 : i32 to vector<16xi32>
    %mul3A_53 = arith.muli %shift_right_arithmetic3A_50, %mul3A_52 : vector<16xi32>
    %shift_right_arithmetic3A_54 = arith.constant 7 : i32
    %shift_right_arithmetic3A_55 = vector.broadcast %shift_right_arithmetic3A_54 : i32 to vector<16xi32>
    %shift_right_arithmetic3A_56 = arith.shrsi %get3A_47, %shift_right_arithmetic3A_55 : vector<16xi32>
    %mul3A_57 = arith.constant 1024 : i32
    %mul3A_58 = vector.broadcast %mul3A_57 : i32 to vector<16xi32>
    %mul3A_59 = arith.muli %shift_right_arithmetic3A_56, %mul3A_58 : vector<16xi32>
    %add3A_60 = arith.addi %mul3A_53, %mul3A_59 : vector<16xi32>
    %and3A_61 = arith.constant 7 : i32
    %and3A_62 = vector.broadcast %and3A_61 : i32 to vector<16xi32>
    %and3A_63 = arith.andi %get3A_44, %and3A_62 : vector<16xi32>
    %mul3A_64 = arith.constant 128 : i32
    %mul3A_65 = vector.broadcast %mul3A_64 : i32 to vector<16xi32>
    %mul3A_66 = arith.muli %and3A_63, %mul3A_65 : vector<16xi32>
    %add3A_67 = arith.addi %add3A_60, %mul3A_66 : vector<16xi32>
    %and3A_68 = arith.constant 127 : i32
    %and3A_69 = vector.broadcast %and3A_68 : i32 to vector<16xi32>
    %and3A_70 = arith.andi %get3A_47, %and3A_69 : vector<16xi32>
    %add3A_71 = arith.addi %add3A_67, %and3A_70 : vector<16xi32>
    %get3A_72 = arith.constant 32 : index
    %get3A_73 = tpu.vector_load %arg6[%get3A_72] {strides = array<i32>} : memref<112xi32, #tpu.memory_space<vmem>>, vector<16xi32>,
    %get3A_74 = vector.shape_cast %get3A_73 : vector<16xi32> to vector<16xi32>
    %get3A_75 = arith.constant 32 : index
    %get3A_76 = tpu.vector_load %arg7[%get3A_75] {strides = array<i32>} : memref<112xi32, #tpu.memory_space<vmem>>, vector<16xi32>,
    %get3A_77 = vector.shape_cast %get3A_76 : vector<16xi32> to vector<16xi32>
    %shift_right_arithmetic3A_78 = arith.constant 3 : i32
    %shift_right_arithmetic3A_79 = vector.broadcast %shift_right_arithmetic3A_78 : i32 to vector<16xi32>
    %shift_right_arithmetic3A_80 = arith.shrsi %get3A_74, %shift_right_arithmetic3A_79 : vector<16xi32>
    %mul3A_81 = arith.constant 4096 : i32
    %mul3A_82 = vector.broadcast %mul3A_81 : i32 to vector<16xi32>
    %mul3A_83 = arith.muli %shift_right_arithmetic3A_80, %mul3A_82 : vector<16xi32>
    %shift_right_arithmetic3A_84 = arith.constant 7 : i32
    %shift_right_arithmetic3A_85 = vector.broadcast %shift_right_arithmetic3A_84 : i32 to vector<16xi32>
    %shift_right_arithmetic3A_86 = arith.shrsi %get3A_77, %shift_right_arithmetic3A_85 : vector<16xi32>
    %mul3A_87 = arith.constant 1024 : i32
    %mul3A_88 = vector.broadcast %mul3A_87 : i32 to vector<16xi32>
    %mul3A_89 = arith.muli %shift_right_arithmetic3A_86, %mul3A_88 : vector<16xi32>
    %add3A_90 = arith.addi %mul3A_83, %mul3A_89 : vector<16xi32>
    %and3A_91 = arith.constant 7 : i32
    %and3A_92 = vector.broadcast %and3A_91 : i32 to vector<16xi32>
    %and3A_93 = arith.andi %get3A_74, %and3A_92 : vector<16xi32>
    %mul3A_94 = arith.constant 128 : i32
    %mul3A_95 = vector.broadcast %mul3A_94 : i32 to vector<16xi32>
    %mul3A_96 = arith.muli %and3A_93, %mul3A_95 : vector<16xi32>
    %add3A_97 = arith.addi %add3A_90, %mul3A_96 : vector<16xi32>
    %and3A_98 = arith.constant 127 : i32
    %and3A_99 = vector.broadcast %and3A_98 : i32 to vector<16xi32>
    %and3A_100 = arith.andi %get3A_77, %and3A_99 : vector<16xi32>
    %add3A_101 = arith.addi %add3A_97, %and3A_100 : vector<16xi32>
    %get3A_102 = arith.constant 48 : index
    %get3A_103 = tpu.vector_load %arg6[%get3A_102] {strides = array<i32>} : memref<112xi32, #tpu.memory_space<vmem>>, vector<16xi32>,
    %get3A_104 = vector.shape_cast %get3A_103 : vector<16xi32> to vector<16xi32>
    %get3A_105 = arith.constant 48 : index
    %get3A_106 = tpu.vector_load %arg7[%get3A_105] {strides = array<i32>} : memref<112xi32, #tpu.memory_space<vmem>>, vector<16xi32>,
    %get3A_107 = vector.shape_cast %get3A_106 : vector<16xi32> to vector<16xi32>
    %shift_right_arithmetic3A_108 = arith.constant 3 : i32
    %shift_right_arithmetic3A_109 = vector.broadcast %shift_right_arithmetic3A_108 : i32 to vector<16xi32>
    %shift_right_arithmetic3A_110 = arith.shrsi %get3A_104, %shift_right_arithmetic3A_109 : vector<16xi32>
    %mul3A_111 = arith.constant 4096 : i32
    %mul3A_112 = vector.broadcast %mul3A_111 : i32 to vector<16xi32>
    %mul3A_113 = arith.muli %shift_right_arithmetic3A_110, %mul3A_112 : vector<16xi32>
    %shift_right_arithmetic3A_114 = arith.constant 7 : i32
    %shift_right_arithmetic3A_115 = vector.broadcast %shift_right_arithmetic3A_114 : i32 to vector<16xi32>
    %shift_right_arithmetic3A_116 = arith.shrsi %get3A_107, %shift_right_arithmetic3A_115 : vector<16xi32>
    %mul3A_117 = arith.constant 1024 : i32
    %mul3A_118 = vector.broadcast %mul3A_117 : i32 to vector<16xi32>
    %mul3A_119 = arith.muli %shift_right_arithmetic3A_116, %mul3A_118 : vector<16xi32>
    %add3A_120 = arith.addi %mul3A_113, %mul3A_119 : vector<16xi32>
    %and3A_121 = arith.constant 7 : i32
    %and3A_122 = vector.broadcast %and3A_121 : i32 to vector<16xi32>
    %and3A_123 = arith.andi %get3A_104, %and3A_122 : vector<16xi32>
    %mul3A_124 = arith.constant 128 : i32
    %mul3A_125 = vector.broadcast %mul3A_124 : i32 to vector<16xi32>
    %mul3A_126 = arith.muli %and3A_123, %mul3A_125 : vector<16xi32>
    %add3A_127 = arith.addi %add3A_120, %mul3A_126 : vector<16xi32>
    %and3A_128 = arith.constant 127 : i32
    %and3A_129 = vector.broadcast %and3A_128 : i32 to vector<16xi32>
    %and3A_130 = arith.andi %get3A_107, %and3A_129 : vector<16xi32>
    %add3A_131 = arith.addi %add3A_127, %and3A_130 : vector<16xi32>
    %get3A_132 = arith.constant 64 : index
    %get3A_133 = tpu.vector_load %arg6[%get3A_132] {strides = array<i32>} : memref<112xi32, #tpu.memory_space<vmem>>, vector<16xi32>,
    %get3A_134 = vector.shape_cast %get3A_133 : vector<16xi32> to vector<16xi32>
    %get3A_135 = arith.constant 64 : index
    %get3A_136 = tpu.vector_load %arg7[%get3A_135] {strides = array<i32>} : memref<112xi32, #tpu.memory_space<vmem>>, vector<16xi32>,
    %get3A_137 = vector.shape_cast %get3A_136 : vector<16xi32> to vector<16xi32>
    %shift_right_arithmetic3A_138 = arith.constant 3 : i32
    %shift_right_arithmetic3A_139 = vector.broadcast %shift_right_arithmetic3A_138 : i32 to vector<16xi32>
    %shift_right_arithmetic3A_140 = arith.shrsi %get3A_134, %shift_right_arithmetic3A_139 : vector<16xi32>
    %mul3A_141 = arith.constant 4096 : i32
    %mul3A_142 = vector.broadcast %mul3A_141 : i32 to vector<16xi32>
    %mul3A_143 = arith.muli %shift_right_arithmetic3A_140, %mul3A_142 : vector<16xi32>
    %shift_right_arithmetic3A_144 = arith.constant 7 : i32
    %shift_right_arithmetic3A_145 = vector.broadcast %shift_right_arithmetic3A_144 : i32 to vector<16xi32>
    %shift_right_arithmetic3A_146 = arith.shrsi %get3A_137, %shift_right_arithmetic3A_145 : vector<16xi32>
    %mul3A_147 = arith.constant 1024 : i32
    %mul3A_148 = vector.broadcast %mul3A_147 : i32 to vector<16xi32>
    %mul3A_149 = arith.muli %shift_right_arithmetic3A_146, %mul3A_148 : vector<16xi32>
    %add3A_150 = arith.addi %mul3A_143, %mul3A_149 : vector<16xi32>
    %and3A_151 = arith.constant 7 : i32
    %and3A_152 = vector.broadcast %and3A_151 : i32 to vector<16xi32>
    %and3A_153 = arith.andi %get3A_134, %and3A_152 : vector<16xi32>
    %mul3A_154 = arith.constant 128 : i32
    %mul3A_155 = vector.broadcast %mul3A_154 : i32 to vector<16xi32>
    %mul3A_156 = arith.muli %and3A_153, %mul3A_155 : vector<16xi32>
    %add3A_157 = arith.addi %add3A_150, %mul3A_156 : vector<16xi32>
    %and3A_158 = arith.constant 127 : i32
    %and3A_159 = vector.broadcast %and3A_158 : i32 to vector<16xi32>
    %and3A_160 = arith.andi %get3A_137, %and3A_159 : vector<16xi32>
    %add3A_161 = arith.addi %add3A_157, %and3A_160 : vector<16xi32>
    %get3A_162 = arith.constant 80 : index
    %get3A_163 = tpu.vector_load %arg6[%get3A_162] {strides = array<i32>} : memref<112xi32, #tpu.memory_space<vmem>>, vector<16xi32>,
    %get3A_164 = vector.shape_cast %get3A_163 : vector<16xi32> to vector<16xi32>
    %get3A_165 = arith.constant 80 : index
    %get3A_166 = tpu.vector_load %arg7[%get3A_165] {strides = array<i32>} : memref<112xi32, #tpu.memory_space<vmem>>, vector<16xi32>,
    %get3A_167 = vector.shape_cast %get3A_166 : vector<16xi32> to vector<16xi32>
    %shift_right_arithmetic3A_168 = arith.constant 3 : i32
    %shift_right_arithmetic3A_169 = vector.broadcast %shift_right_arithmetic3A_168 : i32 to vector<16xi32>
    %shift_right_arithmetic3A_170 = arith.shrsi %get3A_164, %shift_right_arithmetic3A_169 : vector<16xi32>
    %mul3A_171 = arith.constant 4096 : i32
    %mul3A_172 = vector.broadcast %mul3A_171 : i32 to vector<16xi32>
    %mul3A_173 = arith.muli %shift_right_arithmetic3A_170, %mul3A_172 : vector<16xi32>
    %shift_right_arithmetic3A_174 = arith.constant 7 : i32
    %shift_right_arithmetic3A_175 = vector.broadcast %shift_right_arithmetic3A_174 : i32 to vector<16xi32>
    %shift_right_arithmetic3A_176 = arith.shrsi %get3A_167, %shift_right_arithmetic3A_175 : vector<16xi32>
    %mul3A_177 = arith.constant 1024 : i32
    %mul3A_178 = vector.broadcast %mul3A_177 : i32 to vector<16xi32>
    %mul3A_179 = arith.muli %shift_right_arithmetic3A_176, %mul3A_178 : vector<16xi32>
    %add3A_180 = arith.addi %mul3A_173, %mul3A_179 : vector<16xi32>
    %and3A_181 = arith.constant 7 : i32
    %and3A_182 = vector.broadcast %and3A_181 : i32 to vector<16xi32>
    %and3A_183 = arith.andi %get3A_164, %and3A_182 : vector<16xi32>
    %mul3A_184 = arith.constant 128 : i32
    %mul3A_185 = vector.broadcast %mul3A_184 : i32 to vector<16xi32>
    %mul3A_186 = arith.muli %and3A_183, %mul3A_185 : vector<16xi32>
    %add3A_187 = arith.addi %add3A_180, %mul3A_186 : vector<16xi32>
    %and3A_188 = arith.constant 127 : i32
    %and3A_189 = vector.broadcast %and3A_188 : i32 to vector<16xi32>
    %and3A_190 = arith.andi %get3A_167, %and3A_189 : vector<16xi32>
    %add3A_191 = arith.addi %add3A_187, %and3A_190 : vector<16xi32>
    %get3A_192 = arith.constant 96 : index
    %get3A_193 = tpu.vector_load %arg6[%get3A_192] {strides = array<i32>} : memref<112xi32, #tpu.memory_space<vmem>>, vector<16xi32>,
    %get3A_194 = vector.shape_cast %get3A_193 : vector<16xi32> to vector<16xi32>
    %get3A_195 = arith.constant 96 : index
    %get3A_196 = tpu.vector_load %arg7[%get3A_195] {strides = array<i32>} : memref<112xi32, #tpu.memory_space<vmem>>, vector<16xi32>,
    %get3A_197 = vector.shape_cast %get3A_196 : vector<16xi32> to vector<16xi32>
    %shift_right_arithmetic3A_198 = arith.constant 3 : i32
    %shift_right_arithmetic3A_199 = vector.broadcast %shift_right_arithmetic3A_198 : i32 to vector<16xi32>
    %shift_right_arithmetic3A_200 = arith.shrsi %get3A_194, %shift_right_arithmetic3A_199 : vector<16xi32>
    %mul3A_201 = arith.constant 4096 : i32
    %mul3A_202 = vector.broadcast %mul3A_201 : i32 to vector<16xi32>
    %mul3A_203 = arith.muli %shift_right_arithmetic3A_200, %mul3A_202 : vector<16xi32>
    %shift_right_arithmetic3A_204 = arith.constant 7 : i32
    %shift_right_arithmetic3A_205 = vector.broadcast %shift_right_arithmetic3A_204 : i32 to vector<16xi32>
    %shift_right_arithmetic3A_206 = arith.shrsi %get3A_197, %shift_right_arithmetic3A_205 : vector<16xi32>
    %mul3A_207 = arith.constant 1024 : i32
    %mul3A_208 = vector.broadcast %mul3A_207 : i32 to vector<16xi32>
    %mul3A_209 = arith.muli %shift_right_arithmetic3A_206, %mul3A_208 : vector<16xi32>
    %add3A_210 = arith.addi %mul3A_203, %mul3A_209 : vector<16xi32>
    %and3A_211 = arith.constant 7 : i32
    %and3A_212 = vector.broadcast %and3A_211 : i32 to vector<16xi32>
    %and3A_213 = arith.andi %get3A_194, %and3A_212 : vector<16xi32>
    %mul3A_214 = arith.constant 128 : i32
    %mul3A_215 = vector.broadcast %mul3A_214 : i32 to vector<16xi32>
    %mul3A_216 = arith.muli %and3A_213, %mul3A_215 : vector<16xi32>
    %add3A_217 = arith.addi %add3A_210, %mul3A_216 : vector<16xi32>
    %and3A_218 = arith.constant 127 : i32
    %and3A_219 = vector.broadcast %and3A_218 : i32 to vector<16xi32>
    %and3A_220 = arith.andi %get3A_197, %and3A_219 : vector<16xi32>
    %add3A_221 = arith.addi %add3A_217, %and3A_220 : vector<16xi32>
    %iota3A = tpu.iota {dimensions = array<i32: 0>} : vector<16xi32>
    %lt3A = arith.constant 4 : i32
    %lt3A_222 = vector.broadcast %lt3A : i32 to vector<16xi32>
    %lt3A_223 = arith.cmpi slt, %iota3A, %lt3A_222 : vector<16xi32>
    %jit3A = arith.constant 0 : i32
    %broadcast_in_dim3A = vector.broadcast %jit3A : i32 to vector<16xi32>
    %select_n3A = arith.select %lt3A_223, %add3A_221, %broadcast_in_dim3A : vector<16xi1>, vector<16xi32>
    %mul3A_224 = arith.constant 12 : i32
    %mul3A_225 = arith.muli %add3A, %mul3A_224 : i32
    %add3A_226 = arith.constant 0 : i32
    %add3A_227 = arith.addi %mul3A_225, %add3A_226 : i32
    %mul3A_228 = arith.constant 262144 : i32
    %mul3A_229 = arith.muli %add3A_227, %mul3A_228 : i32
    %add3A_230 = vector.broadcast %mul3A_229 : i32 to vector<16xi32>
    %add3A_231 = arith.addi %add3A_41, %add3A_230 : vector<16xi32>
    %swap3A = arith.constant 0 : index
    %swap3A_232 = tpu.vector_load %arg8[%swap3A] {strides = array<i32>} : memref<1344xi32, #tpu.memory_space<vmem>>, vector<16xi32>,
    %swap3A_233 = vector.shape_cast %swap3A_232 : vector<16xi32> to vector<16xi32>
    %swap3A_234 = vector.shape_cast %add3A_231 : vector<16xi32> to vector<16xi32>
    tpu.vector_store %arg8[%swap3A], %swap3A_234 {strides = array<i32>} : memref<1344xi32, #tpu.memory_space<vmem>>, vector<16xi32>,
    %add3A_235 = vector.broadcast %mul3A_229 : i32 to vector<16xi32>
    %add3A_236 = arith.addi %add3A_71, %add3A_235 : vector<16xi32>
    %swap3A_237 = arith.constant 16 : index
    %swap3A_238 = tpu.vector_load %arg8[%swap3A_237] {strides = array<i32>} : memref<1344xi32, #tpu.memory_space<vmem>>, vector<16xi32>,
    %swap3A_239 = vector.shape_cast %swap3A_238 : vector<16xi32> to vector<16xi32>
    %swap3A_240 = vector.shape_cast %add3A_236 : vector<16xi32> to vector<16xi32>
    tpu.vector_store %arg8[%swap3A_237], %swap3A_240 {strides = array<i32>} : memref<1344xi32, #tpu.memory_space<vmem>>, vector<16xi32>,
    %add3A_241 = vector.broadcast %mul3A_229 : i32 to vector<16xi32>
    %add3A_242 = arith.addi %add3A_101, %add3A_241 : vector<16xi32>
    %swap3A_243 = arith.constant 32 : index
    %swap3A_244 = tpu.vector_load %arg8[%swap3A_243] {strides = array<i32>} : memref<1344xi32, #tpu.memory_space<vmem>>, vector<16xi32>,
    %swap3A_245 = vector.shape_cast %swap3A_244 : vector<16xi32> to vector<16xi32>
    %swap3A_246 = vector.shape_cast %add3A_242 : vector<16xi32> to vector<16xi32>
    tpu.vector_store %arg8[%swap3A_243], %swap3A_246 {strides = array<i32>} : memref<1344xi32, #tpu.memory_space<vmem>>, vector<16xi32>,
    %add3A_247 = vector.broadcast %mul3A_229 : i32 to vector<16xi32>
    %add3A_248 = arith.addi %add3A_131, %add3A_247 : vector<16xi32>
    %swap3A_249 = arith.constant 48 : index
    %swap3A_250 = tpu.vector_load %arg8[%swap3A_249] {strides = array<i32>} : memref<1344xi32, #tpu.memory_space<vmem>>, vector<16xi32>,
    %swap3A_251 = vector.shape_cast %swap3A_250 : vector<16xi32> to vector<16xi32>
    %swap3A_252 = vector.shape_cast %add3A_248 : vector<16xi32> to vector<16xi32>
    tpu.vector_store %arg8[%swap3A_249], %swap3A_252 {strides = array<i32>} : memref<1344xi32, #tpu.memory_space<vmem>>, vector<16xi32>,
    %add3A_253 = vector.broadcast %mul3A_229 : i32 to vector<16xi32>
    %add3A_254 = arith.addi %add3A_161, %add3A_253 : vector<16xi32>
    %swap3A_255 = arith.constant 64 : index
    %swap3A_256 = tpu.vector_load %arg8[%swap3A_255] {strides = array<i32>} : memref<1344xi32, #tpu.memory_space<vmem>>, vector<16xi32>,
    %swap3A_257 = vector.shape_cast %swap3A_256 : vector<16xi32> to vector<16xi32>
    %swap3A_258 = vector.shape_cast %add3A_254 : vector<16xi32> to vector<16xi32>
    tpu.vector_store %arg8[%swap3A_255], %swap3A_258 {strides = array<i32>} : memref<1344xi32, #tpu.memory_space<vmem>>, vector<16xi32>,
    %add3A_259 = vector.broadcast %mul3A_229 : i32 to vector<16xi32>
    %add3A_260 = arith.addi %add3A_191, %add3A_259 : vector<16xi32>
    %swap3A_261 = arith.constant 80 : index
    %swap3A_262 = tpu.vector_load %arg8[%swap3A_261] {strides = array<i32>} : memref<1344xi32, #tpu.memory_space<vmem>>, vector<16xi32>,
    %swap3A_263 = vector.shape_cast %swap3A_262 : vector<16xi32> to vector<16xi32>
    %swap3A_264 = vector.shape_cast %add3A_260 : vector<16xi32> to vector<16xi32>
    tpu.vector_store %arg8[%swap3A_261], %swap3A_264 {strides = array<i32>} : memref<1344xi32, #tpu.memory_space<vmem>>, vector<16xi32>,
    %add3A_265 = vector.broadcast %mul3A_229 : i32 to vector<16xi32>
    %add3A_266 = arith.addi %select_n3A, %add3A_265 : vector<16xi32>
    %swap3A_267 = arith.constant 96 : index
    %swap3A_268 = tpu.vector_load %arg8[%swap3A_267] {strides = array<i32>} : memref<1344xi32, #tpu.memory_space<vmem>>, vector<16xi32>,
    %swap3A_269 = vector.shape_cast %swap3A_268 : vector<16xi32> to vector<16xi32>
    %swap3A_270 = vector.shape_cast %add3A_266 : vector<16xi32> to vector<16xi32>
    tpu.vector_store %arg8[%swap3A_267], %swap3A_270 {strides = array<i32>} : memref<1344xi32, #tpu.memory_space<vmem>>, vector<16xi32>,
    %add3A_271 = arith.constant 1 : i32
    %add3A_272 = arith.addi %mul3A_225, %add3A_271 : i32
    %mul3A_273 = arith.constant 262144 : i32
    %mul3A_274 = arith.muli %add3A_272, %mul3A_273 : i32
    %add3A_275 = vector.broadcast %mul3A_274 : i32 to vector<16xi32>
    %add3A_276 = arith.addi %add3A_41, %add3A_275 : vector<16xi32>
    %swap3A_277 = arith.constant 112 : index
    %swap3A_278 = tpu.vector_load %arg8[%swap3A_277] {strides = array<i32>} : memref<1344xi32, #tpu.memory_space<vmem>>, vector<16xi32>,
    %swap3A_279 = vector.shape_cast %swap3A_278 : vector<16xi32> to vector<16xi32>
    %swap3A_280 = vector.shape_cast %add3A_276 : vector<16xi32> to vector<16xi32>
    tpu.vector_store %arg8[%swap3A_277], %swap3A_280 {strides = array<i32>} : memref<1344xi32, #tpu.memory_space<vmem>>, vector<16xi32>,
    %add3A_281 = vector.broadcast %mul3A_274 : i32 to vector<16xi32>
    %add3A_282 = arith.addi %add3A_71, %add3A_281 : vector<16xi32>
    %swap3A_283 = arith.constant 128 : index
    %swap3A_284 = tpu.vector_load %arg8[%swap3A_283] {strides = array<i32>} : memref<1344xi32, #tpu.memory_space<vmem>>, vector<16xi32>,
    %swap3A_285 = vector.shape_cast %swap3A_284 : vector<16xi32> to vector<16xi32>
    %swap3A_286 = vector.shape_cast %add3A_282 : vector<16xi32> to vector<16xi32>
    tpu.vector_store %arg8[%swap3A_283], %swap3A_286 {strides = array<i32>} : memref<1344xi32, #tpu.memory_space<vmem>>, vector<16xi32>,
    %add3A_287 = vector.broadcast %mul3A_274 : i32 to vector<16xi32>
    %add3A_288 = arith.addi %add3A_101, %add3A_287 : vector<16xi32>
    %swap3A_289 = arith.constant 144 : index
    %swap3A_290 = tpu.vector_load %arg8[%swap3A_289] {strides = array<i32>} : memref<1344xi32, #tpu.memory_space<vmem>>, vector<16xi32>,
    %swap3A_291 = vector.shape_cast %swap3A_290 : vector<16xi32> to vector<16xi32>
    %swap3A_292 = vector.shape_cast %add3A_288 : vector<16xi32> to vector<16xi32>
    tpu.vector_store %arg8[%swap3A_289], %swap3A_292 {strides = array<i32>} : memref<1344xi32, #tpu.memory_space<vmem>>, vector<16xi32>,
    %add3A_293 = vector.broadcast %mul3A_274 : i32 to vector<16xi32>
    %add3A_294 = arith.addi %add3A_131, %add3A_293 : vector<16xi32>
    %swap3A_295 = arith.constant 160 : index
    %swap3A_296 = tpu.vector_load %arg8[%swap3A_295] {strides = array<i32>} : memref<1344xi32, #tpu.memory_space<vmem>>, vector<16xi32>,
    %swap3A_297 = vector.shape_cast %swap3A_296 : vector<16xi32> to vector<16xi32>
    %swap3A_298 = vector.shape_cast %add3A_294 : vector<16xi32> to vector<16xi32>
    tpu.vector_store %arg8[%swap3A_295], %swap3A_298 {strides = array<i32>} : memref<1344xi32, #tpu.memory_space<vmem>>, vector<16xi32>,
    %add3A_299 = vector.broadcast %mul3A_274 : i32 to vector<16xi32>
    %add3A_300 = arith.addi %add3A_161, %add3A_299 : vector<16xi32>
    %swap3A_301 = arith.constant 176 : index
    %swap3A_302 = tpu.vector_load %arg8[%swap3A_301] {strides = array<i32>} : memref<1344xi32, #tpu.memory_space<vmem>>, vector<16xi32>,
    %swap3A_303 = vector.shape_cast %swap3A_302 : vector<16xi32> to vector<16xi32>
    %swap3A_304 = vector.shape_cast %add3A_300 : vector<16xi32> to vector<16xi32>
    tpu.vector_store %arg8[%swap3A_301], %swap3A_304 {strides = array<i32>} : memref<1344xi32, #tpu.memory_space<vmem>>, vector<16xi32>,
    %add3A_305 = vector.broadcast %mul3A_274 : i32 to vector<16xi32>
    %add3A_306 = arith.addi %add3A_191, %add3A_305 : vector<16xi32>
    %swap3A_307 = arith.constant 192 : index
    %swap3A_308 = tpu.vector_load %arg8[%swap3A_307] {strides = array<i32>} : memref<1344xi32, #tpu.memory_space<vmem>>, vector<16xi32>,
    %swap3A_309 = vector.shape_cast %swap3A_308 : vector<16xi32> to vector<16xi32>
    %swap3A_310 = vector.shape_cast %add3A_306 : vector<16xi32> to vector<16xi32>
    tpu.vector_store %arg8[%swap3A_307], %swap3A_310 {strides = array<i32>} : memref<1344xi32, #tpu.memory_space<vmem>>, vector<16xi32>,
    %add3A_311 = vector.broadcast %mul3A_274 : i32 to vector<16xi32>
    %add3A_312 = arith.addi %select_n3A, %add3A_311 : vector<16xi32>
    %swap3A_313 = arith.constant 208 : index
    %swap3A_314 = tpu.vector_load %arg8[%swap3A_313] {strides = array<i32>} : memref<1344xi32, #tpu.memory_space<vmem>>, vector<16xi32>,
    %swap3A_315 = vector.shape_cast %swap3A_314 : vector<16xi32> to vector<16xi32>
    %swap3A_316 = vector.shape_cast %add3A_312 : vector<16xi32> to vector<16xi32>
    tpu.vector_store %arg8[%swap3A_313], %swap3A_316 {strides = array<i32>} : memref<1344xi32, #tpu.memory_space<vmem>>, vector<16xi32>,
    %add3A_317 = arith.constant 2 : i32
    %add3A_318 = arith.addi %mul3A_225, %add3A_317 : i32
    %mul3A_319 = arith.constant 262144 : i32
    %mul3A_320 = arith.muli %add3A_318, %mul3A_319 : i32
    %add3A_321 = vector.broadcast %mul3A_320 : i32 to vector<16xi32>
    %add3A_322 = arith.addi %add3A_41, %add3A_321 : vector<16xi32>
    %swap3A_323 = arith.constant 224 : index
    %swap3A_324 = tpu.vector_load %arg8[%swap3A_323] {strides = array<i32>} : memref<1344xi32, #tpu.memory_space<vmem>>, vector<16xi32>,
    %swap3A_325 = vector.shape_cast %swap3A_324 : vector<16xi32> to vector<16xi32>
    %swap3A_326 = vector.shape_cast %add3A_322 : vector<16xi32> to vector<16xi32>
    tpu.vector_store %arg8[%swap3A_323], %swap3A_326 {strides = array<i32>} : memref<1344xi32, #tpu.memory_space<vmem>>, vector<16xi32>,
    %add3A_327 = vector.broadcast %mul3A_320 : i32 to vector<16xi32>
    %add3A_328 = arith.addi %add3A_71, %add3A_327 : vector<16xi32>
    %swap3A_329 = arith.constant 240 : index
    %swap3A_330 = tpu.vector_load %arg8[%swap3A_329] {strides = array<i32>} : memref<1344xi32, #tpu.memory_space<vmem>>, vector<16xi32>,
    %swap3A_331 = vector.shape_cast %swap3A_330 : vector<16xi32> to vector<16xi32>
    %swap3A_332 = vector.shape_cast %add3A_328 : vector<16xi32> to vector<16xi32>
    tpu.vector_store %arg8[%swap3A_329], %swap3A_332 {strides = array<i32>} : memref<1344xi32, #tpu.memory_space<vmem>>, vector<16xi32>,
    %add3A_333 = vector.broadcast %mul3A_320 : i32 to vector<16xi32>
    %add3A_334 = arith.addi %add3A_101, %add3A_333 : vector<16xi32>
    %swap3A_335 = arith.constant 256 : index
    %swap3A_336 = tpu.vector_load %arg8[%swap3A_335] {strides = array<i32>} : memref<1344xi32, #tpu.memory_space<vmem>>, vector<16xi32>,
    %swap3A_337 = vector.shape_cast %swap3A_336 : vector<16xi32> to vector<16xi32>
    %swap3A_338 = vector.shape_cast %add3A_334 : vector<16xi32> to vector<16xi32>
    tpu.vector_store %arg8[%swap3A_335], %swap3A_338 {strides = array<i32>} : memref<1344xi32, #tpu.memory_space<vmem>>, vector<16xi32>,
    %add3A_339 = vector.broadcast %mul3A_320 : i32 to vector<16xi32>
    %add3A_340 = arith.addi %add3A_131, %add3A_339 : vector<16xi32>
    %swap3A_341 = arith.constant 272 : index
    %swap3A_342 = tpu.vector_load %arg8[%swap3A_341] {strides = array<i32>} : memref<1344xi32, #tpu.memory_space<vmem>>, vector<16xi32>,
    %swap3A_343 = vector.shape_cast %swap3A_342 : vector<16xi32> to vector<16xi32>
    %swap3A_344 = vector.shape_cast %add3A_340 : vector<16xi32> to vector<16xi32>
    tpu.vector_store %arg8[%swap3A_341], %swap3A_344 {strides = array<i32>} : memref<1344xi32, #tpu.memory_space<vmem>>, vector<16xi32>,
    %add3A_345 = vector.broadcast %mul3A_320 : i32 to vector<16xi32>
    %add3A_346 = arith.addi %add3A_161, %add3A_345 : vector<16xi32>
    %swap3A_347 = arith.constant 288 : index
    %swap3A_348 = tpu.vector_load %arg8[%swap3A_347] {strides = array<i32>} : memref<1344xi32, #tpu.memory_space<vmem>>, vector<16xi32>,
    %swap3A_349 = vector.shape_cast %swap3A_348 : vector<16xi32> to vector<16xi32>
    %swap3A_350 = vector.shape_cast %add3A_346 : vector<16xi32> to vector<16xi32>
    tpu.vector_store %arg8[%swap3A_347], %swap3A_350 {strides = array<i32>} : memref<1344xi32, #tpu.memory_space<vmem>>, vector<16xi32>,
    %add3A_351 = vector.broadcast %mul3A_320 : i32 to vector<16xi32>
    %add3A_352 = arith.addi %add3A_191, %add3A_351 : vector<16xi32>
    %swap3A_353 = arith.constant 304 : index
    %swap3A_354 = tpu.vector_load %arg8[%swap3A_353] {strides = array<i32>} : memref<1344xi32, #tpu.memory_space<vmem>>, vector<16xi32>,
    %swap3A_355 = vector.shape_cast %swap3A_354 : vector<16xi32> to vector<16xi32>
    %swap3A_356 = vector.shape_cast %add3A_352 : vector<16xi32> to vector<16xi32>
    tpu.vector_store %arg8[%swap3A_353], %swap3A_356 {strides = array<i32>} : memref<1344xi32, #tpu.memory_space<vmem>>, vector<16xi32>,
    %add3A_357 = vector.broadcast %mul3A_320 : i32 to vector<16xi32>
    %add3A_358 = arith.addi %select_n3A, %add3A_357 : vector<16xi32>
    %swap3A_359 = arith.constant 320 : index
    %swap3A_360 = tpu.vector_load %arg8[%swap3A_359] {strides = array<i32>} : memref<1344xi32, #tpu.memory_space<vmem>>, vector<16xi32>,
    %swap3A_361 = vector.shape_cast %swap3A_360 : vector<16xi32> to vector<16xi32>
    %swap3A_362 = vector.shape_cast %add3A_358 : vector<16xi32> to vector<16xi32>
    tpu.vector_store %arg8[%swap3A_359], %swap3A_362 {strides = array<i32>} : memref<1344xi32, #tpu.memory_space<vmem>>, vector<16xi32>,
    %add3A_363 = arith.constant 3 : i32
    %add3A_364 = arith.addi %mul3A_225, %add3A_363 : i32
    %mul3A_365 = arith.constant 262144 : i32
    %mul3A_366 = arith.muli %add3A_364, %mul3A_365 : i32
    %add3A_367 = vector.broadcast %mul3A_366 : i32 to vector<16xi32>
    %add3A_368 = arith.addi %add3A_41, %add3A_367 : vector<16xi32>
    %swap3A_369 = arith.constant 336 : index
    %swap3A_370 = tpu.vector_load %arg8[%swap3A_369] {strides = array<i32>} : memref<1344xi32, #tpu.memory_space<vmem>>, vector<16xi32>,
    %swap3A_371 = vector.shape_cast %swap3A_370 : vector<16xi32> to vector<16xi32>
    %swap3A_372 = vector.shape_cast %add3A_368 : vector<16xi32> to vector<16xi32>
    tpu.vector_store %arg8[%swap3A_369], %swap3A_372 {strides = array<i32>} : memref<1344xi32, #tpu.memory_space<vmem>>, vector<16xi32>,
    %add3A_373 = vector.broadcast %mul3A_366 : i32 to vector<16xi32>
    %add3A_374 = arith.addi %add3A_71, %add3A_373 : vector<16xi32>
    %swap3A_375 = arith.constant 352 : index
    %swap3A_376 = tpu.vector_load %arg8[%swap3A_375] {strides = array<i32>} : memref<1344xi32, #tpu.memory_space<vmem>>, vector<16xi32>,
    %swap3A_377 = vector.shape_cast %swap3A_376 : vector<16xi32> to vector<16xi32>
    %swap3A_378 = vector.shape_cast %add3A_374 : vector<16xi32> to vector<16xi32>
    tpu.vector_store %arg8[%swap3A_375], %swap3A_378 {strides = array<i32>} : memref<1344xi32, #tpu.memory_space<vmem>>, vector<16xi32>,
    %add3A_379 = vector.broadcast %mul3A_366 : i32 to vector<16xi32>
    %add3A_380 = arith.addi %add3A_101, %add3A_379 : vector<16xi32>
    %swap3A_381 = arith.constant 368 : index
    %swap3A_382 = tpu.vector_load %arg8[%swap3A_381] {strides = array<i32>} : memref<1344xi32, #tpu.memory_space<vmem>>, vector<16xi32>,
    %swap3A_383 = vector.shape_cast %swap3A_382 : vector<16xi32> to vector<16xi32>
    %swap3A_384 = vector.shape_cast %add3A_380 : vector<16xi32> to vector<16xi32>
    tpu.vector_store %arg8[%swap3A_381], %swap3A_384 {strides = array<i32>} : memref<1344xi32, #tpu.memory_space<vmem>>, vector<16xi32>,
    %add3A_385 = vector.broadcast %mul3A_366 : i32 to vector<16xi32>
    %add3A_386 = arith.addi %add3A_131, %add3A_385 : vector<16xi32>
    %swap3A_387 = arith.constant 384 : index
    %swap3A_388 = tpu.vector_load %arg8[%swap3A_387] {strides = array<i32>} : memref<1344xi32, #tpu.memory_space<vmem>>, vector<16xi32>,
    %swap3A_389 = vector.shape_cast %swap3A_388 : vector<16xi32> to vector<16xi32>
    %swap3A_390 = vector.shape_cast %add3A_386 : vector<16xi32> to vector<16xi32>
    tpu.vector_store %arg8[%swap3A_387], %swap3A_390 {strides = array<i32>} : memref<1344xi32, #tpu.memory_space<vmem>>, vector<16xi32>,
    %add3A_391 = vector.broadcast %mul3A_366 : i32 to vector<16xi32>
    %add3A_392 = arith.addi %add3A_161, %add3A_391 : vector<16xi32>
    %swap3A_393 = arith.constant 400 : index
    %swap3A_394 = tpu.vector_load %arg8[%swap3A_393] {strides = array<i32>} : memref<1344xi32, #tpu.memory_space<vmem>>, vector<16xi32>,
    %swap3A_395 = vector.shape_cast %swap3A_394 : vector<16xi32> to vector<16xi32>
    %swap3A_396 = vector.shape_cast %add3A_392 : vector<16xi32> to vector<16xi32>
    tpu.vector_store %arg8[%swap3A_393], %swap3A_396 {strides = array<i32>} : memref<1344xi32, #tpu.memory_space<vmem>>, vector<16xi32>,
    %add3A_397 = vector.broadcast %mul3A_366 : i32 to vector<16xi32>
    %add3A_398 = arith.addi %add3A_191, %add3A_397 : vector<16xi32>
    %swap3A_399 = arith.constant 416 : index
    %swap3A_400 = tpu.vector_load %arg8[%swap3A_399] {strides = array<i32>} : memref<1344xi32, #tpu.memory_space<vmem>>, vector<16xi32>,
    %swap3A_401 = vector.shape_cast %swap3A_400 : vector<16xi32> to vector<16xi32>
    %swap3A_402 = vector.shape_cast %add3A_398 : vector<16xi32> to vector<16xi32>
    tpu.vector_store %arg8[%swap3A_399], %swap3A_402 {strides = array<i32>} : memref<1344xi32, #tpu.memory_space<vmem>>, vector<16xi32>,
    %add3A_403 = vector.broadcast %mul3A_366 : i32 to vector<16xi32>
    %add3A_404 = arith.addi %select_n3A, %add3A_403 : vector<16xi32>
    %swap3A_405 = arith.constant 432 : index
    %swap3A_406 = tpu.vector_load %arg8[%swap3A_405] {strides = array<i32>} : memref<1344xi32, #tpu.memory_space<vmem>>, vector<16xi32>,
    %swap3A_407 = vector.shape_cast %swap3A_406 : vector<16xi32> to vector<16xi32>
    %swap3A_408 = vector.shape_cast %add3A_404 : vector<16xi32> to vector<16xi32>
    tpu.vector_store %arg8[%swap3A_405], %swap3A_408 {strides = array<i32>} : memref<1344xi32, #tpu.memory_space<vmem>>, vector<16xi32>,
    %add3A_409 = arith.constant 4 : i32
    %add3A_410 = arith.addi %mul3A_225, %add3A_409 : i32
    %mul3A_411 = arith.constant 262144 : i32
    %mul3A_412 = arith.muli %add3A_410, %mul3A_411 : i32
    %add3A_413 = vector.broadcast %mul3A_412 : i32 to vector<16xi32>
    %add3A_414 = arith.addi %add3A_41, %add3A_413 : vector<16xi32>
    %swap3A_415 = arith.constant 448 : index
    %swap3A_416 = tpu.vector_load %arg8[%swap3A_415] {strides = array<i32>} : memref<1344xi32, #tpu.memory_space<vmem>>, vector<16xi32>,
    %swap3A_417 = vector.shape_cast %swap3A_416 : vector<16xi32> to vector<16xi32>
    %swap3A_418 = vector.shape_cast %add3A_414 : vector<16xi32> to vector<16xi32>
    tpu.vector_store %arg8[%swap3A_415], %swap3A_418 {strides = array<i32>} : memref<1344xi32, #tpu.memory_space<vmem>>, vector<16xi32>,
    %add3A_419 = vector.broadcast %mul3A_412 : i32 to vector<16xi32>
    %add3A_420 = arith.addi %add3A_71, %add3A_419 : vector<16xi32>
    %swap3A_421 = arith.constant 464 : index
    %swap3A_422 = tpu.vector_load %arg8[%swap3A_421] {strides = array<i32>} : memref<1344xi32, #tpu.memory_space<vmem>>, vector<16xi32>,
    %swap3A_423 = vector.shape_cast %swap3A_422 : vector<16xi32> to vector<16xi32>
    %swap3A_424 = vector.shape_cast %add3A_420 : vector<16xi32> to vector<16xi32>
    tpu.vector_store %arg8[%swap3A_421], %swap3A_424 {strides = array<i32>} : memref<1344xi32, #tpu.memory_space<vmem>>, vector<16xi32>,
    %add3A_425 = vector.broadcast %mul3A_412 : i32 to vector<16xi32>
    %add3A_426 = arith.addi %add3A_101, %add3A_425 : vector<16xi32>
    %swap3A_427 = arith.constant 480 : index
    %swap3A_428 = tpu.vector_load %arg8[%swap3A_427] {strides = array<i32>} : memref<1344xi32, #tpu.memory_space<vmem>>, vector<16xi32>,
    %swap3A_429 = vector.shape_cast %swap3A_428 : vector<16xi32> to vector<16xi32>
    %swap3A_430 = vector.shape_cast %add3A_426 : vector<16xi32> to vector<16xi32>
    tpu.vector_store %arg8[%swap3A_427], %swap3A_430 {strides = array<i32>} : memref<1344xi32, #tpu.memory_space<vmem>>, vector<16xi32>,
    %add3A_431 = vector.broadcast %mul3A_412 : i32 to vector<16xi32>
    %add3A_432 = arith.addi %add3A_131, %add3A_431 : vector<16xi32>
    %swap3A_433 = arith.constant 496 : index
    %swap3A_434 = tpu.vector_load %arg8[%swap3A_433] {strides = array<i32>} : memref<1344xi32, #tpu.memory_space<vmem>>, vector<16xi32>,
    %swap3A_435 = vector.shape_cast %swap3A_434 : vector<16xi32> to vector<16xi32>
    %swap3A_436 = vector.shape_cast %add3A_432 : vector<16xi32> to vector<16xi32>
    tpu.vector_store %arg8[%swap3A_433], %swap3A_436 {strides = array<i32>} : memref<1344xi32, #tpu.memory_space<vmem>>, vector<16xi32>,
    %add3A_437 = vector.broadcast %mul3A_412 : i32 to vector<16xi32>
    %add3A_438 = arith.addi %add3A_161, %add3A_437 : vector<16xi32>
    %swap3A_439 = arith.constant 512 : index
    %swap3A_440 = tpu.vector_load %arg8[%swap3A_439] {strides = array<i32>} : memref<1344xi32, #tpu.memory_space<vmem>>, vector<16xi32>,
    %swap3A_441 = vector.shape_cast %swap3A_440 : vector<16xi32> to vector<16xi32>
    %swap3A_442 = vector.shape_cast %add3A_438 : vector<16xi32> to vector<16xi32>
    tpu.vector_store %arg8[%swap3A_439], %swap3A_442 {strides = array<i32>} : memref<1344xi32, #tpu.memory_space<vmem>>, vector<16xi32>,
    %add3A_443 = vector.broadcast %mul3A_412 : i32 to vector<16xi32>
    %add3A_444 = arith.addi %add3A_191, %add3A_443 : vector<16xi32>
    %swap3A_445 = arith.constant 528 : index
    %swap3A_446 = tpu.vector_load %arg8[%swap3A_445] {strides = array<i32>} : memref<1344xi32, #tpu.memory_space<vmem>>, vector<16xi32>,
    %swap3A_447 = vector.shape_cast %swap3A_446 : vector<16xi32> to vector<16xi32>
    %swap3A_448 = vector.shape_cast %add3A_444 : vector<16xi32> to vector<16xi32>
    tpu.vector_store %arg8[%swap3A_445], %swap3A_448 {strides = array<i32>} : memref<1344xi32, #tpu.memory_space<vmem>>, vector<16xi32>,
    %add3A_449 = vector.broadcast %mul3A_412 : i32 to vector<16xi32>
    %add3A_450 = arith.addi %select_n3A, %add3A_449 : vector<16xi32>
    %swap3A_451 = arith.constant 544 : index
    %swap3A_452 = tpu.vector_load %arg8[%swap3A_451] {strides = array<i32>} : memref<1344xi32, #tpu.memory_space<vmem>>, vector<16xi32>,
    %swap3A_453 = vector.shape_cast %swap3A_452 : vector<16xi32> to vector<16xi32>
    %swap3A_454 = vector.shape_cast %add3A_450 : vector<16xi32> to vector<16xi32>
    tpu.vector_store %arg8[%swap3A_451], %swap3A_454 {strides = array<i32>} : memref<1344xi32, #tpu.memory_space<vmem>>, vector<16xi32>,
    %add3A_455 = arith.constant 5 : i32
    %add3A_456 = arith.addi %mul3A_225, %add3A_455 : i32
    %mul3A_457 = arith.constant 262144 : i32
    %mul3A_458 = arith.muli %add3A_456, %mul3A_457 : i32
    %add3A_459 = vector.broadcast %mul3A_458 : i32 to vector<16xi32>
    %add3A_460 = arith.addi %add3A_41, %add3A_459 : vector<16xi32>
    %swap3A_461 = arith.constant 560 : index
    %swap3A_462 = tpu.vector_load %arg8[%swap3A_461] {strides = array<i32>} : memref<1344xi32, #tpu.memory_space<vmem>>, vector<16xi32>,
    %swap3A_463 = vector.shape_cast %swap3A_462 : vector<16xi32> to vector<16xi32>
    %swap3A_464 = vector.shape_cast %add3A_460 : vector<16xi32> to vector<16xi32>
    tpu.vector_store %arg8[%swap3A_461], %swap3A_464 {strides = array<i32>} : memref<1344xi32, #tpu.memory_space<vmem>>, vector<16xi32>,
    %add3A_465 = vector.broadcast %mul3A_458 : i32 to vector<16xi32>
    %add3A_466 = arith.addi %add3A_71, %add3A_465 : vector<16xi32>
    %swap3A_467 = arith.constant 576 : index
    %swap3A_468 = tpu.vector_load %arg8[%swap3A_467] {strides = array<i32>} : memref<1344xi32, #tpu.memory_space<vmem>>, vector<16xi32>,
    %swap3A_469 = vector.shape_cast %swap3A_468 : vector<16xi32> to vector<16xi32>
    %swap3A_470 = vector.shape_cast %add3A_466 : vector<16xi32> to vector<16xi32>
    tpu.vector_store %arg8[%swap3A_467], %swap3A_470 {strides = array<i32>} : memref<1344xi32, #tpu.memory_space<vmem>>, vector<16xi32>,
    %add3A_471 = vector.broadcast %mul3A_458 : i32 to vector<16xi32>
    %add3A_472 = arith.addi %add3A_101, %add3A_471 : vector<16xi32>
    %swap3A_473 = arith.constant 592 : index
    %swap3A_474 = tpu.vector_load %arg8[%swap3A_473] {strides = array<i32>} : memref<1344xi32, #tpu.memory_space<vmem>>, vector<16xi32>,
    %swap3A_475 = vector.shape_cast %swap3A_474 : vector<16xi32> to vector<16xi32>
    %swap3A_476 = vector.shape_cast %add3A_472 : vector<16xi32> to vector<16xi32>
    tpu.vector_store %arg8[%swap3A_473], %swap3A_476 {strides = array<i32>} : memref<1344xi32, #tpu.memory_space<vmem>>, vector<16xi32>,
    %add3A_477 = vector.broadcast %mul3A_458 : i32 to vector<16xi32>
    %add3A_478 = arith.addi %add3A_131, %add3A_477 : vector<16xi32>
    %swap3A_479 = arith.constant 608 : index
    %swap3A_480 = tpu.vector_load %arg8[%swap3A_479] {strides = array<i32>} : memref<1344xi32, #tpu.memory_space<vmem>>, vector<16xi32>,
    %swap3A_481 = vector.shape_cast %swap3A_480 : vector<16xi32> to vector<16xi32>
    %swap3A_482 = vector.shape_cast %add3A_478 : vector<16xi32> to vector<16xi32>
    tpu.vector_store %arg8[%swap3A_479], %swap3A_482 {strides = array<i32>} : memref<1344xi32, #tpu.memory_space<vmem>>, vector<16xi32>,
    %add3A_483 = vector.broadcast %mul3A_458 : i32 to vector<16xi32>
    %add3A_484 = arith.addi %add3A_161, %add3A_483 : vector<16xi32>
    %swap3A_485 = arith.constant 624 : index
    %swap3A_486 = tpu.vector_load %arg8[%swap3A_485] {strides = array<i32>} : memref<1344xi32, #tpu.memory_space<vmem>>, vector<16xi32>,
    %swap3A_487 = vector.shape_cast %swap3A_486 : vector<16xi32> to vector<16xi32>
    %swap3A_488 = vector.shape_cast %add3A_484 : vector<16xi32> to vector<16xi32>
    tpu.vector_store %arg8[%swap3A_485], %swap3A_488 {strides = array<i32>} : memref<1344xi32, #tpu.memory_space<vmem>>, vector<16xi32>,
    %add3A_489 = vector.broadcast %mul3A_458 : i32 to vector<16xi32>
    %add3A_490 = arith.addi %add3A_191, %add3A_489 : vector<16xi32>
    %swap3A_491 = arith.constant 640 : index
    %swap3A_492 = tpu.vector_load %arg8[%swap3A_491] {strides = array<i32>} : memref<1344xi32, #tpu.memory_space<vmem>>, vector<16xi32>,
    %swap3A_493 = vector.shape_cast %swap3A_492 : vector<16xi32> to vector<16xi32>
    %swap3A_494 = vector.shape_cast %add3A_490 : vector<16xi32> to vector<16xi32>
    tpu.vector_store %arg8[%swap3A_491], %swap3A_494 {strides = array<i32>} : memref<1344xi32, #tpu.memory_space<vmem>>, vector<16xi32>,
    %add3A_495 = vector.broadcast %mul3A_458 : i32 to vector<16xi32>
    %add3A_496 = arith.addi %select_n3A, %add3A_495 : vector<16xi32>
    %swap3A_497 = arith.constant 656 : index
    %swap3A_498 = tpu.vector_load %arg8[%swap3A_497] {strides = array<i32>} : memref<1344xi32, #tpu.memory_space<vmem>>, vector<16xi32>,
    %swap3A_499 = vector.shape_cast %swap3A_498 : vector<16xi32> to vector<16xi32>
    %swap3A_500 = vector.shape_cast %add3A_496 : vector<16xi32> to vector<16xi32>
    tpu.vector_store %arg8[%swap3A_497], %swap3A_500 {strides = array<i32>} : memref<1344xi32, #tpu.memory_space<vmem>>, vector<16xi32>,
    %add3A_501 = arith.constant 6 : i32
    %add3A_502 = arith.addi %mul3A_225, %add3A_501 : i32
    %mul3A_503 = arith.constant 262144 : i32
    %mul3A_504 = arith.muli %add3A_502, %mul3A_503 : i32
    %add3A_505 = vector.broadcast %mul3A_504 : i32 to vector<16xi32>
    %add3A_506 = arith.addi %add3A_41, %add3A_505 : vector<16xi32>
    %swap3A_507 = arith.constant 672 : index
    %swap3A_508 = tpu.vector_load %arg8[%swap3A_507] {strides = array<i32>} : memref<1344xi32, #tpu.memory_space<vmem>>, vector<16xi32>,
    %swap3A_509 = vector.shape_cast %swap3A_508 : vector<16xi32> to vector<16xi32>
    %swap3A_510 = vector.shape_cast %add3A_506 : vector<16xi32> to vector<16xi32>
    tpu.vector_store %arg8[%swap3A_507], %swap3A_510 {strides = array<i32>} : memref<1344xi32, #tpu.memory_space<vmem>>, vector<16xi32>,
    %add3A_511 = vector.broadcast %mul3A_504 : i32 to vector<16xi32>
    %add3A_512 = arith.addi %add3A_71, %add3A_511 : vector<16xi32>
    %swap3A_513 = arith.constant 688 : index
    %swap3A_514 = tpu.vector_load %arg8[%swap3A_513] {strides = array<i32>} : memref<1344xi32, #tpu.memory_space<vmem>>, vector<16xi32>,
    %swap3A_515 = vector.shape_cast %swap3A_514 : vector<16xi32> to vector<16xi32>
    %swap3A_516 = vector.shape_cast %add3A_512 : vector<16xi32> to vector<16xi32>
    tpu.vector_store %arg8[%swap3A_513], %swap3A_516 {strides = array<i32>} : memref<1344xi32, #tpu.memory_space<vmem>>, vector<16xi32>,
    %add3A_517 = vector.broadcast %mul3A_504 : i32 to vector<16xi32>
    %add3A_518 = arith.addi %add3A_101, %add3A_517 : vector<16xi32>
    %swap3A_519 = arith.constant 704 : index
    %swap3A_520 = tpu.vector_load %arg8[%swap3A_519] {strides = array<i32>} : memref<1344xi32, #tpu.memory_space<vmem>>, vector<16xi32>,
    %swap3A_521 = vector.shape_cast %swap3A_520 : vector<16xi32> to vector<16xi32>
    %swap3A_522 = vector.shape_cast %add3A_518 : vector<16xi32> to vector<16xi32>
    tpu.vector_store %arg8[%swap3A_519], %swap3A_522 {strides = array<i32>} : memref<1344xi32, #tpu.memory_space<vmem>>, vector<16xi32>,
    %add3A_523 = vector.broadcast %mul3A_504 : i32 to vector<16xi32>
    %add3A_524 = arith.addi %add3A_131, %add3A_523 : vector<16xi32>
    %swap3A_525 = arith.constant 720 : index
    %swap3A_526 = tpu.vector_load %arg8[%swap3A_525] {strides = array<i32>} : memref<1344xi32, #tpu.memory_space<vmem>>, vector<16xi32>,
    %swap3A_527 = vector.shape_cast %swap3A_526 : vector<16xi32> to vector<16xi32>
    %swap3A_528 = vector.shape_cast %add3A_524 : vector<16xi32> to vector<16xi32>
    tpu.vector_store %arg8[%swap3A_525], %swap3A_528 {strides = array<i32>} : memref<1344xi32, #tpu.memory_space<vmem>>, vector<16xi32>,
    %add3A_529 = vector.broadcast %mul3A_504 : i32 to vector<16xi32>
    %add3A_530 = arith.addi %add3A_161, %add3A_529 : vector<16xi32>
    %swap3A_531 = arith.constant 736 : index
    %swap3A_532 = tpu.vector_load %arg8[%swap3A_531] {strides = array<i32>} : memref<1344xi32, #tpu.memory_space<vmem>>, vector<16xi32>,
    %swap3A_533 = vector.shape_cast %swap3A_532 : vector<16xi32> to vector<16xi32>
    %swap3A_534 = vector.shape_cast %add3A_530 : vector<16xi32> to vector<16xi32>
    tpu.vector_store %arg8[%swap3A_531], %swap3A_534 {strides = array<i32>} : memref<1344xi32, #tpu.memory_space<vmem>>, vector<16xi32>,
    %add3A_535 = vector.broadcast %mul3A_504 : i32 to vector<16xi32>
    %add3A_536 = arith.addi %add3A_191, %add3A_535 : vector<16xi32>
    %swap3A_537 = arith.constant 752 : index
    %swap3A_538 = tpu.vector_load %arg8[%swap3A_537] {strides = array<i32>} : memref<1344xi32, #tpu.memory_space<vmem>>, vector<16xi32>,
    %swap3A_539 = vector.shape_cast %swap3A_538 : vector<16xi32> to vector<16xi32>
    %swap3A_540 = vector.shape_cast %add3A_536 : vector<16xi32> to vector<16xi32>
    tpu.vector_store %arg8[%swap3A_537], %swap3A_540 {strides = array<i32>} : memref<1344xi32, #tpu.memory_space<vmem>>, vector<16xi32>,
    %add3A_541 = vector.broadcast %mul3A_504 : i32 to vector<16xi32>
    %add3A_542 = arith.addi %select_n3A, %add3A_541 : vector<16xi32>
    %swap3A_543 = arith.constant 768 : index
    %swap3A_544 = tpu.vector_load %arg8[%swap3A_543] {strides = array<i32>} : memref<1344xi32, #tpu.memory_space<vmem>>, vector<16xi32>,
    %swap3A_545 = vector.shape_cast %swap3A_544 : vector<16xi32> to vector<16xi32>
    %swap3A_546 = vector.shape_cast %add3A_542 : vector<16xi32> to vector<16xi32>
    tpu.vector_store %arg8[%swap3A_543], %swap3A_546 {strides = array<i32>} : memref<1344xi32, #tpu.memory_space<vmem>>, vector<16xi32>,
    %add3A_547 = arith.constant 7 : i32
    %add3A_548 = arith.addi %mul3A_225, %add3A_547 : i32
    %mul3A_549 = arith.constant 262144 : i32
    %mul3A_550 = arith.muli %add3A_548, %mul3A_549 : i32
    %add3A_551 = vector.broadcast %mul3A_550 : i32 to vector<16xi32>
    %add3A_552 = arith.addi %add3A_41, %add3A_551 : vector<16xi32>
    %swap3A_553 = arith.constant 784 : index
    %swap3A_554 = tpu.vector_load %arg8[%swap3A_553] {strides = array<i32>} : memref<1344xi32, #tpu.memory_space<vmem>>, vector<16xi32>,
    %swap3A_555 = vector.shape_cast %swap3A_554 : vector<16xi32> to vector<16xi32>
    %swap3A_556 = vector.shape_cast %add3A_552 : vector<16xi32> to vector<16xi32>
    tpu.vector_store %arg8[%swap3A_553], %swap3A_556 {strides = array<i32>} : memref<1344xi32, #tpu.memory_space<vmem>>, vector<16xi32>,
    %add3A_557 = vector.broadcast %mul3A_550 : i32 to vector<16xi32>
    %add3A_558 = arith.addi %add3A_71, %add3A_557 : vector<16xi32>
    %swap3A_559 = arith.constant 800 : index
    %swap3A_560 = tpu.vector_load %arg8[%swap3A_559] {strides = array<i32>} : memref<1344xi32, #tpu.memory_space<vmem>>, vector<16xi32>,
    %swap3A_561 = vector.shape_cast %swap3A_560 : vector<16xi32> to vector<16xi32>
    %swap3A_562 = vector.shape_cast %add3A_558 : vector<16xi32> to vector<16xi32>
    tpu.vector_store %arg8[%swap3A_559], %swap3A_562 {strides = array<i32>} : memref<1344xi32, #tpu.memory_space<vmem>>, vector<16xi32>,
    %add3A_563 = vector.broadcast %mul3A_550 : i32 to vector<16xi32>
    %add3A_564 = arith.addi %add3A_101, %add3A_563 : vector<16xi32>
    %swap3A_565 = arith.constant 816 : index
    %swap3A_566 = tpu.vector_load %arg8[%swap3A_565] {strides = array<i32>} : memref<1344xi32, #tpu.memory_space<vmem>>, vector<16xi32>,
    %swap3A_567 = vector.shape_cast %swap3A_566 : vector<16xi32> to vector<16xi32>
    %swap3A_568 = vector.shape_cast %add3A_564 : vector<16xi32> to vector<16xi32>
    tpu.vector_store %arg8[%swap3A_565], %swap3A_568 {strides = array<i32>} : memref<1344xi32, #tpu.memory_space<vmem>>, vector<16xi32>,
    %add3A_569 = vector.broadcast %mul3A_550 : i32 to vector<16xi32>
    %add3A_570 = arith.addi %add3A_131, %add3A_569 : vector<16xi32>
    %swap3A_571 = arith.constant 832 : index
    %swap3A_572 = tpu.vector_load %arg8[%swap3A_571] {strides = array<i32>} : memref<1344xi32, #tpu.memory_space<vmem>>, vector<16xi32>,
    %swap3A_573 = vector.shape_cast %swap3A_572 : vector<16xi32> to vector<16xi32>
    %swap3A_574 = vector.shape_cast %add3A_570 : vector<16xi32> to vector<16xi32>
    tpu.vector_store %arg8[%swap3A_571], %swap3A_574 {strides = array<i32>} : memref<1344xi32, #tpu.memory_space<vmem>>, vector<16xi32>,
    %add3A_575 = vector.broadcast %mul3A_550 : i32 to vector<16xi32>
    %add3A_576 = arith.addi %add3A_161, %add3A_575 : vector<16xi32>
    %swap3A_577 = arith.constant 848 : index
    %swap3A_578 = tpu.vector_load %arg8[%swap3A_577] {strides = array<i32>} : memref<1344xi32, #tpu.memory_space<vmem>>, vector<16xi32>,
    %swap3A_579 = vector.shape_cast %swap3A_578 : vector<16xi32> to vector<16xi32>
    %swap3A_580 = vector.shape_cast %add3A_576 : vector<16xi32> to vector<16xi32>
    tpu.vector_store %arg8[%swap3A_577], %swap3A_580 {strides = array<i32>} : memref<1344xi32, #tpu.memory_space<vmem>>, vector<16xi32>,
    %add3A_581 = vector.broadcast %mul3A_550 : i32 to vector<16xi32>
    %add3A_582 = arith.addi %add3A_191, %add3A_581 : vector<16xi32>
    %swap3A_583 = arith.constant 864 : index
    %swap3A_584 = tpu.vector_load %arg8[%swap3A_583] {strides = array<i32>} : memref<1344xi32, #tpu.memory_space<vmem>>, vector<16xi32>,
    %swap3A_585 = vector.shape_cast %swap3A_584 : vector<16xi32> to vector<16xi32>
    %swap3A_586 = vector.shape_cast %add3A_582 : vector<16xi32> to vector<16xi32>
    tpu.vector_store %arg8[%swap3A_583], %swap3A_586 {strides = array<i32>} : memref<1344xi32, #tpu.memory_space<vmem>>, vector<16xi32>,
    %add3A_587 = vector.broadcast %mul3A_550 : i32 to vector<16xi32>
    %add3A_588 = arith.addi %select_n3A, %add3A_587 : vector<16xi32>
    %swap3A_589 = arith.constant 880 : index
    %swap3A_590 = tpu.vector_load %arg8[%swap3A_589] {strides = array<i32>} : memref<1344xi32, #tpu.memory_space<vmem>>, vector<16xi32>,
    %swap3A_591 = vector.shape_cast %swap3A_590 : vector<16xi32> to vector<16xi32>
    %swap3A_592 = vector.shape_cast %add3A_588 : vector<16xi32> to vector<16xi32>
    tpu.vector_store %arg8[%swap3A_589], %swap3A_592 {strides = array<i32>} : memref<1344xi32, #tpu.memory_space<vmem>>, vector<16xi32>,
    %add3A_593 = arith.constant 8 : i32
    %add3A_594 = arith.addi %mul3A_225, %add3A_593 : i32
    %mul3A_595 = arith.constant 262144 : i32
    %mul3A_596 = arith.muli %add3A_594, %mul3A_595 : i32
    %add3A_597 = vector.broadcast %mul3A_596 : i32 to vector<16xi32>
    %add3A_598 = arith.addi %add3A_41, %add3A_597 : vector<16xi32>
    %swap3A_599 = arith.constant 896 : index
    %swap3A_600 = tpu.vector_load %arg8[%swap3A_599] {strides = array<i32>} : memref<1344xi32, #tpu.memory_space<vmem>>, vector<16xi32>,
    %swap3A_601 = vector.shape_cast %swap3A_600 : vector<16xi32> to vector<16xi32>
    %swap3A_602 = vector.shape_cast %add3A_598 : vector<16xi32> to vector<16xi32>
    tpu.vector_store %arg8[%swap3A_599], %swap3A_602 {strides = array<i32>} : memref<1344xi32, #tpu.memory_space<vmem>>, vector<16xi32>,
    %add3A_603 = vector.broadcast %mul3A_596 : i32 to vector<16xi32>
    %add3A_604 = arith.addi %add3A_71, %add3A_603 : vector<16xi32>
    %swap3A_605 = arith.constant 912 : index
    %swap3A_606 = tpu.vector_load %arg8[%swap3A_605] {strides = array<i32>} : memref<1344xi32, #tpu.memory_space<vmem>>, vector<16xi32>,
    %swap3A_607 = vector.shape_cast %swap3A_606 : vector<16xi32> to vector<16xi32>
    %swap3A_608 = vector.shape_cast %add3A_604 : vector<16xi32> to vector<16xi32>
    tpu.vector_store %arg8[%swap3A_605], %swap3A_608 {strides = array<i32>} : memref<1344xi32, #tpu.memory_space<vmem>>, vector<16xi32>,
    %add3A_609 = vector.broadcast %mul3A_596 : i32 to vector<16xi32>
    %add3A_610 = arith.addi %add3A_101, %add3A_609 : vector<16xi32>
    %swap3A_611 = arith.constant 928 : index
    %swap3A_612 = tpu.vector_load %arg8[%swap3A_611] {strides = array<i32>} : memref<1344xi32, #tpu.memory_space<vmem>>, vector<16xi32>,
    %swap3A_613 = vector.shape_cast %swap3A_612 : vector<16xi32> to vector<16xi32>
    %swap3A_614 = vector.shape_cast %add3A_610 : vector<16xi32> to vector<16xi32>
    tpu.vector_store %arg8[%swap3A_611], %swap3A_614 {strides = array<i32>} : memref<1344xi32, #tpu.memory_space<vmem>>, vector<16xi32>,
    %add3A_615 = vector.broadcast %mul3A_596 : i32 to vector<16xi32>
    %add3A_616 = arith.addi %add3A_131, %add3A_615 : vector<16xi32>
    %swap3A_617 = arith.constant 944 : index
    %swap3A_618 = tpu.vector_load %arg8[%swap3A_617] {strides = array<i32>} : memref<1344xi32, #tpu.memory_space<vmem>>, vector<16xi32>,
    %swap3A_619 = vector.shape_cast %swap3A_618 : vector<16xi32> to vector<16xi32>
    %swap3A_620 = vector.shape_cast %add3A_616 : vector<16xi32> to vector<16xi32>
    tpu.vector_store %arg8[%swap3A_617], %swap3A_620 {strides = array<i32>} : memref<1344xi32, #tpu.memory_space<vmem>>, vector<16xi32>,
    %add3A_621 = vector.broadcast %mul3A_596 : i32 to vector<16xi32>
    %add3A_622 = arith.addi %add3A_161, %add3A_621 : vector<16xi32>
    %swap3A_623 = arith.constant 960 : index
    %swap3A_624 = tpu.vector_load %arg8[%swap3A_623] {strides = array<i32>} : memref<1344xi32, #tpu.memory_space<vmem>>, vector<16xi32>,
    %swap3A_625 = vector.shape_cast %swap3A_624 : vector<16xi32> to vector<16xi32>
    %swap3A_626 = vector.shape_cast %add3A_622 : vector<16xi32> to vector<16xi32>
    tpu.vector_store %arg8[%swap3A_623], %swap3A_626 {strides = array<i32>} : memref<1344xi32, #tpu.memory_space<vmem>>, vector<16xi32>,
    %add3A_627 = vector.broadcast %mul3A_596 : i32 to vector<16xi32>
    %add3A_628 = arith.addi %add3A_191, %add3A_627 : vector<16xi32>
    %swap3A_629 = arith.constant 976 : index
    %swap3A_630 = tpu.vector_load %arg8[%swap3A_629] {strides = array<i32>} : memref<1344xi32, #tpu.memory_space<vmem>>, vector<16xi32>,
    %swap3A_631 = vector.shape_cast %swap3A_630 : vector<16xi32> to vector<16xi32>
    %swap3A_632 = vector.shape_cast %add3A_628 : vector<16xi32> to vector<16xi32>
    tpu.vector_store %arg8[%swap3A_629], %swap3A_632 {strides = array<i32>} : memref<1344xi32, #tpu.memory_space<vmem>>, vector<16xi32>,
    %add3A_633 = vector.broadcast %mul3A_596 : i32 to vector<16xi32>
    %add3A_634 = arith.addi %select_n3A, %add3A_633 : vector<16xi32>
    %swap3A_635 = arith.constant 992 : index
    %swap3A_636 = tpu.vector_load %arg8[%swap3A_635] {strides = array<i32>} : memref<1344xi32, #tpu.memory_space<vmem>>, vector<16xi32>,
    %swap3A_637 = vector.shape_cast %swap3A_636 : vector<16xi32> to vector<16xi32>
    %swap3A_638 = vector.shape_cast %add3A_634 : vector<16xi32> to vector<16xi32>
    tpu.vector_store %arg8[%swap3A_635], %swap3A_638 {strides = array<i32>} : memref<1344xi32, #tpu.memory_space<vmem>>, vector<16xi32>,
    %add3A_639 = arith.constant 9 : i32
    %add3A_640 = arith.addi %mul3A_225, %add3A_639 : i32
    %mul3A_641 = arith.constant 262144 : i32
    %mul3A_642 = arith.muli %add3A_640, %mul3A_641 : i32
    %add3A_643 = vector.broadcast %mul3A_642 : i32 to vector<16xi32>
    %add3A_644 = arith.addi %add3A_41, %add3A_643 : vector<16xi32>
    %swap3A_645 = arith.constant 1008 : index
    %swap3A_646 = tpu.vector_load %arg8[%swap3A_645] {strides = array<i32>} : memref<1344xi32, #tpu.memory_space<vmem>>, vector<16xi32>,
    %swap3A_647 = vector.shape_cast %swap3A_646 : vector<16xi32> to vector<16xi32>
    %swap3A_648 = vector.shape_cast %add3A_644 : vector<16xi32> to vector<16xi32>
    tpu.vector_store %arg8[%swap3A_645], %swap3A_648 {strides = array<i32>} : memref<1344xi32, #tpu.memory_space<vmem>>, vector<16xi32>,
    %add3A_649 = vector.broadcast %mul3A_642 : i32 to vector<16xi32>
    %add3A_650 = arith.addi %add3A_71, %add3A_649 : vector<16xi32>
    %swap3A_651 = arith.constant 1024 : index
    %swap3A_652 = tpu.vector_load %arg8[%swap3A_651] {strides = array<i32>} : memref<1344xi32, #tpu.memory_space<vmem>>, vector<16xi32>,
    %swap3A_653 = vector.shape_cast %swap3A_652 : vector<16xi32> to vector<16xi32>
    %swap3A_654 = vector.shape_cast %add3A_650 : vector<16xi32> to vector<16xi32>
    tpu.vector_store %arg8[%swap3A_651], %swap3A_654 {strides = array<i32>} : memref<1344xi32, #tpu.memory_space<vmem>>, vector<16xi32>,
    %add3A_655 = vector.broadcast %mul3A_642 : i32 to vector<16xi32>
    %add3A_656 = arith.addi %add3A_101, %add3A_655 : vector<16xi32>
    %swap3A_657 = arith.constant 1040 : index
    %swap3A_658 = tpu.vector_load %arg8[%swap3A_657] {strides = array<i32>} : memref<1344xi32, #tpu.memory_space<vmem>>, vector<16xi32>,
    %swap3A_659 = vector.shape_cast %swap3A_658 : vector<16xi32> to vector<16xi32>
    %swap3A_660 = vector.shape_cast %add3A_656 : vector<16xi32> to vector<16xi32>
    tpu.vector_store %arg8[%swap3A_657], %swap3A_660 {strides = array<i32>} : memref<1344xi32, #tpu.memory_space<vmem>>, vector<16xi32>,
    %add3A_661 = vector.broadcast %mul3A_642 : i32 to vector<16xi32>
    %add3A_662 = arith.addi %add3A_131, %add3A_661 : vector<16xi32>
    %swap3A_663 = arith.constant 1056 : index
    %swap3A_664 = tpu.vector_load %arg8[%swap3A_663] {strides = array<i32>} : memref<1344xi32, #tpu.memory_space<vmem>>, vector<16xi32>,
    %swap3A_665 = vector.shape_cast %swap3A_664 : vector<16xi32> to vector<16xi32>
    %swap3A_666 = vector.shape_cast %add3A_662 : vector<16xi32> to vector<16xi32>
    tpu.vector_store %arg8[%swap3A_663], %swap3A_666 {strides = array<i32>} : memref<1344xi32, #tpu.memory_space<vmem>>, vector<16xi32>,
    %add3A_667 = vector.broadcast %mul3A_642 : i32 to vector<16xi32>
    %add3A_668 = arith.addi %add3A_161, %add3A_667 : vector<16xi32>
    %swap3A_669 = arith.constant 1072 : index
    %swap3A_670 = tpu.vector_load %arg8[%swap3A_669] {strides = array<i32>} : memref<1344xi32, #tpu.memory_space<vmem>>, vector<16xi32>,
    %swap3A_671 = vector.shape_cast %swap3A_670 : vector<16xi32> to vector<16xi32>
    %swap3A_672 = vector.shape_cast %add3A_668 : vector<16xi32> to vector<16xi32>
    tpu.vector_store %arg8[%swap3A_669], %swap3A_672 {strides = array<i32>} : memref<1344xi32, #tpu.memory_space<vmem>>, vector<16xi32>,
    %add3A_673 = vector.broadcast %mul3A_642 : i32 to vector<16xi32>
    %add3A_674 = arith.addi %add3A_191, %add3A_673 : vector<16xi32>
    %swap3A_675 = arith.constant 1088 : index
    %swap3A_676 = tpu.vector_load %arg8[%swap3A_675] {strides = array<i32>} : memref<1344xi32, #tpu.memory_space<vmem>>, vector<16xi32>,
    %swap3A_677 = vector.shape_cast %swap3A_676 : vector<16xi32> to vector<16xi32>
    %swap3A_678 = vector.shape_cast %add3A_674 : vector<16xi32> to vector<16xi32>
    tpu.vector_store %arg8[%swap3A_675], %swap3A_678 {strides = array<i32>} : memref<1344xi32, #tpu.memory_space<vmem>>, vector<16xi32>,
    %add3A_679 = vector.broadcast %mul3A_642 : i32 to vector<16xi32>
    %add3A_680 = arith.addi %select_n3A, %add3A_679 : vector<16xi32>
    %swap3A_681 = arith.constant 1104 : index
    %swap3A_682 = tpu.vector_load %arg8[%swap3A_681] {strides = array<i32>} : memref<1344xi32, #tpu.memory_space<vmem>>, vector<16xi32>,
    %swap3A_683 = vector.shape_cast %swap3A_682 : vector<16xi32> to vector<16xi32>
    %swap3A_684 = vector.shape_cast %add3A_680 : vector<16xi32> to vector<16xi32>
    tpu.vector_store %arg8[%swap3A_681], %swap3A_684 {strides = array<i32>} : memref<1344xi32, #tpu.memory_space<vmem>>, vector<16xi32>,
    %add3A_685 = arith.constant 10 : i32
    %add3A_686 = arith.addi %mul3A_225, %add3A_685 : i32
    %mul3A_687 = arith.constant 262144 : i32
    %mul3A_688 = arith.muli %add3A_686, %mul3A_687 : i32
    %add3A_689 = vector.broadcast %mul3A_688 : i32 to vector<16xi32>
    %add3A_690 = arith.addi %add3A_41, %add3A_689 : vector<16xi32>
    %swap3A_691 = arith.constant 1120 : index
    %swap3A_692 = tpu.vector_load %arg8[%swap3A_691] {strides = array<i32>} : memref<1344xi32, #tpu.memory_space<vmem>>, vector<16xi32>,
    %swap3A_693 = vector.shape_cast %swap3A_692 : vector<16xi32> to vector<16xi32>
    %swap3A_694 = vector.shape_cast %add3A_690 : vector<16xi32> to vector<16xi32>
    tpu.vector_store %arg8[%swap3A_691], %swap3A_694 {strides = array<i32>} : memref<1344xi32, #tpu.memory_space<vmem>>, vector<16xi32>,
    %add3A_695 = vector.broadcast %mul3A_688 : i32 to vector<16xi32>
    %add3A_696 = arith.addi %add3A_71, %add3A_695 : vector<16xi32>
    %swap3A_697 = arith.constant 1136 : index
    %swap3A_698 = tpu.vector_load %arg8[%swap3A_697] {strides = array<i32>} : memref<1344xi32, #tpu.memory_space<vmem>>, vector<16xi32>,
    %swap3A_699 = vector.shape_cast %swap3A_698 : vector<16xi32> to vector<16xi32>
    %swap3A_700 = vector.shape_cast %add3A_696 : vector<16xi32> to vector<16xi32>
    tpu.vector_store %arg8[%swap3A_697], %swap3A_700 {strides = array<i32>} : memref<1344xi32, #tpu.memory_space<vmem>>, vector<16xi32>,
    %add3A_701 = vector.broadcast %mul3A_688 : i32 to vector<16xi32>
    %add3A_702 = arith.addi %add3A_101, %add3A_701 : vector<16xi32>
    %swap3A_703 = arith.constant 1152 : index
    %swap3A_704 = tpu.vector_load %arg8[%swap3A_703] {strides = array<i32>} : memref<1344xi32, #tpu.memory_space<vmem>>, vector<16xi32>,
    %swap3A_705 = vector.shape_cast %swap3A_704 : vector<16xi32> to vector<16xi32>
    %swap3A_706 = vector.shape_cast %add3A_702 : vector<16xi32> to vector<16xi32>
    tpu.vector_store %arg8[%swap3A_703], %swap3A_706 {strides = array<i32>} : memref<1344xi32, #tpu.memory_space<vmem>>, vector<16xi32>,
    %add3A_707 = vector.broadcast %mul3A_688 : i32 to vector<16xi32>
    %add3A_708 = arith.addi %add3A_131, %add3A_707 : vector<16xi32>
    %swap3A_709 = arith.constant 1168 : index
    %swap3A_710 = tpu.vector_load %arg8[%swap3A_709] {strides = array<i32>} : memref<1344xi32, #tpu.memory_space<vmem>>, vector<16xi32>,
    %swap3A_711 = vector.shape_cast %swap3A_710 : vector<16xi32> to vector<16xi32>
    %swap3A_712 = vector.shape_cast %add3A_708 : vector<16xi32> to vector<16xi32>
    tpu.vector_store %arg8[%swap3A_709], %swap3A_712 {strides = array<i32>} : memref<1344xi32, #tpu.memory_space<vmem>>, vector<16xi32>,
    %add3A_713 = vector.broadcast %mul3A_688 : i32 to vector<16xi32>
    %add3A_714 = arith.addi %add3A_161, %add3A_713 : vector<16xi32>
    %swap3A_715 = arith.constant 1184 : index
    %swap3A_716 = tpu.vector_load %arg8[%swap3A_715] {strides = array<i32>} : memref<1344xi32, #tpu.memory_space<vmem>>, vector<16xi32>,
    %swap3A_717 = vector.shape_cast %swap3A_716 : vector<16xi32> to vector<16xi32>
    %swap3A_718 = vector.shape_cast %add3A_714 : vector<16xi32> to vector<16xi32>
    tpu.vector_store %arg8[%swap3A_715], %swap3A_718 {strides = array<i32>} : memref<1344xi32, #tpu.memory_space<vmem>>, vector<16xi32>,
    %add3A_719 = vector.broadcast %mul3A_688 : i32 to vector<16xi32>
    %add3A_720 = arith.addi %add3A_191, %add3A_719 : vector<16xi32>
    %swap3A_721 = arith.constant 1200 : index
    %swap3A_722 = tpu.vector_load %arg8[%swap3A_721] {strides = array<i32>} : memref<1344xi32, #tpu.memory_space<vmem>>, vector<16xi32>,
    %swap3A_723 = vector.shape_cast %swap3A_722 : vector<16xi32> to vector<16xi32>
    %swap3A_724 = vector.shape_cast %add3A_720 : vector<16xi32> to vector<16xi32>
    tpu.vector_store %arg8[%swap3A_721], %swap3A_724 {strides = array<i32>} : memref<1344xi32, #tpu.memory_space<vmem>>, vector<16xi32>,
    %add3A_725 = vector.broadcast %mul3A_688 : i32 to vector<16xi32>
    %add3A_726 = arith.addi %select_n3A, %add3A_725 : vector<16xi32>
    %swap3A_727 = arith.constant 1216 : index
    %swap3A_728 = tpu.vector_load %arg8[%swap3A_727] {strides = array<i32>} : memref<1344xi32, #tpu.memory_space<vmem>>, vector<16xi32>,
    %swap3A_729 = vector.shape_cast %swap3A_728 : vector<16xi32> to vector<16xi32>
    %swap3A_730 = vector.shape_cast %add3A_726 : vector<16xi32> to vector<16xi32>
    tpu.vector_store %arg8[%swap3A_727], %swap3A_730 {strides = array<i32>} : memref<1344xi32, #tpu.memory_space<vmem>>, vector<16xi32>,
    %add3A_731 = arith.constant 11 : i32
    %add3A_732 = arith.addi %mul3A_225, %add3A_731 : i32
    %mul3A_733 = arith.constant 262144 : i32
    %mul3A_734 = arith.muli %add3A_732, %mul3A_733 : i32
    %add3A_735 = vector.broadcast %mul3A_734 : i32 to vector<16xi32>
    %add3A_736 = arith.addi %add3A_41, %add3A_735 : vector<16xi32>
    %swap3A_737 = arith.constant 1232 : index
    %swap3A_738 = tpu.vector_load %arg8[%swap3A_737] {strides = array<i32>} : memref<1344xi32, #tpu.memory_space<vmem>>, vector<16xi32>,
    %swap3A_739 = vector.shape_cast %swap3A_738 : vector<16xi32> to vector<16xi32>
    %swap3A_740 = vector.shape_cast %add3A_736 : vector<16xi32> to vector<16xi32>
    tpu.vector_store %arg8[%swap3A_737], %swap3A_740 {strides = array<i32>} : memref<1344xi32, #tpu.memory_space<vmem>>, vector<16xi32>,
    %add3A_741 = vector.broadcast %mul3A_734 : i32 to vector<16xi32>
    %add3A_742 = arith.addi %add3A_71, %add3A_741 : vector<16xi32>
    %swap3A_743 = arith.constant 1248 : index
    %swap3A_744 = tpu.vector_load %arg8[%swap3A_743] {strides = array<i32>} : memref<1344xi32, #tpu.memory_space<vmem>>, vector<16xi32>,
    %swap3A_745 = vector.shape_cast %swap3A_744 : vector<16xi32> to vector<16xi32>
    %swap3A_746 = vector.shape_cast %add3A_742 : vector<16xi32> to vector<16xi32>
    tpu.vector_store %arg8[%swap3A_743], %swap3A_746 {strides = array<i32>} : memref<1344xi32, #tpu.memory_space<vmem>>, vector<16xi32>,
    %add3A_747 = vector.broadcast %mul3A_734 : i32 to vector<16xi32>
    %add3A_748 = arith.addi %add3A_101, %add3A_747 : vector<16xi32>
    %swap3A_749 = arith.constant 1264 : index
    %swap3A_750 = tpu.vector_load %arg8[%swap3A_749] {strides = array<i32>} : memref<1344xi32, #tpu.memory_space<vmem>>, vector<16xi32>,
    %swap3A_751 = vector.shape_cast %swap3A_750 : vector<16xi32> to vector<16xi32>
    %swap3A_752 = vector.shape_cast %add3A_748 : vector<16xi32> to vector<16xi32>
    tpu.vector_store %arg8[%swap3A_749], %swap3A_752 {strides = array<i32>} : memref<1344xi32, #tpu.memory_space<vmem>>, vector<16xi32>,
    %add3A_753 = vector.broadcast %mul3A_734 : i32 to vector<16xi32>
    %add3A_754 = arith.addi %add3A_131, %add3A_753 : vector<16xi32>
    %swap3A_755 = arith.constant 1280 : index
    %swap3A_756 = tpu.vector_load %arg8[%swap3A_755] {strides = array<i32>} : memref<1344xi32, #tpu.memory_space<vmem>>, vector<16xi32>,
    %swap3A_757 = vector.shape_cast %swap3A_756 : vector<16xi32> to vector<16xi32>
    %swap3A_758 = vector.shape_cast %add3A_754 : vector<16xi32> to vector<16xi32>
    tpu.vector_store %arg8[%swap3A_755], %swap3A_758 {strides = array<i32>} : memref<1344xi32, #tpu.memory_space<vmem>>, vector<16xi32>,
    %add3A_759 = vector.broadcast %mul3A_734 : i32 to vector<16xi32>
    %add3A_760 = arith.addi %add3A_161, %add3A_759 : vector<16xi32>
    %swap3A_761 = arith.constant 1296 : index
    %swap3A_762 = tpu.vector_load %arg8[%swap3A_761] {strides = array<i32>} : memref<1344xi32, #tpu.memory_space<vmem>>, vector<16xi32>,
    %swap3A_763 = vector.shape_cast %swap3A_762 : vector<16xi32> to vector<16xi32>
    %swap3A_764 = vector.shape_cast %add3A_760 : vector<16xi32> to vector<16xi32>
    tpu.vector_store %arg8[%swap3A_761], %swap3A_764 {strides = array<i32>} : memref<1344xi32, #tpu.memory_space<vmem>>, vector<16xi32>,
    %add3A_765 = vector.broadcast %mul3A_734 : i32 to vector<16xi32>
    %add3A_766 = arith.addi %add3A_191, %add3A_765 : vector<16xi32>
    %swap3A_767 = arith.constant 1312 : index
    %swap3A_768 = tpu.vector_load %arg8[%swap3A_767] {strides = array<i32>} : memref<1344xi32, #tpu.memory_space<vmem>>, vector<16xi32>,
    %swap3A_769 = vector.shape_cast %swap3A_768 : vector<16xi32> to vector<16xi32>
    %swap3A_770 = vector.shape_cast %add3A_766 : vector<16xi32> to vector<16xi32>
    tpu.vector_store %arg8[%swap3A_767], %swap3A_770 {strides = array<i32>} : memref<1344xi32, #tpu.memory_space<vmem>>, vector<16xi32>,
    %add3A_771 = vector.broadcast %mul3A_734 : i32 to vector<16xi32>
    %add3A_772 = arith.addi %select_n3A, %add3A_771 : vector<16xi32>
    %swap3A_773 = arith.constant 1328 : index
    %swap3A_774 = tpu.vector_load %arg8[%swap3A_773] {strides = array<i32>} : memref<1344xi32, #tpu.memory_space<vmem>>, vector<16xi32>,
    %swap3A_775 = vector.shape_cast %swap3A_774 : vector<16xi32> to vector<16xi32>
    %swap3A_776 = vector.shape_cast %add3A_772 : vector<16xi32> to vector<16xi32>
    tpu.vector_store %arg8[%swap3A_773], %swap3A_776 {strides = array<i32>} : memref<1344xi32, #tpu.memory_space<vmem>>, vector<16xi32>,
    %dma_start3A_777 = arith.constant 0 : i32
    %dma_start3A_778 = tpu.memref_slice %arg9[%dma_start3A_777] : memref<1536xf32, #tpu.memory_space<vmem>> -> memref<104xf32, #tpu.memory_space<vmem>>
    %dma_start3A_779 = arith.constant 0 : i32
    %dma_start3A_780 = tpu.memref_slice %arg8[%dma_start3A_779] : memref<1344xi32, #tpu.memory_space<vmem>> -> memref<104xi32, #tpu.memory_space<vmem>>
    %dma_start3A_781 = arith.constant 0 : i32
    %dma_start3A_782 = tpu.memref_slice %arg4[%dma_start3A_781] : memref<100663296xf32, #tpu.memory_space<hbm>> -> memref<100663296xf32, #tpu.memory_space<hbm>>
    tpu.enqueue_indirect_dma source(%dma_start3A_782 : memref<100663296xf32, #tpu.memory_space<hbm>>) target(%dma_start3A_778 : memref<104xf32, #tpu.memory_space<vmem>>) offsets(%dma_start3A_780 : memref<104xi32, #tpu.memory_space<vmem>>) semaphore(%arg10 : memref<!tpu.dma_semaphore, #tpu.memory_space<semaphore_mem>>)
    %dma_start3A_783 = arith.constant 128 : i32
    %dma_start3A_784 = tpu.memref_slice %arg9[%dma_start3A_783] : memref<1536xf32, #tpu.memory_space<vmem>> -> memref<104xf32, #tpu.memory_space<vmem>>
    %dma_start3A_785 = arith.constant 112 : i32
    %dma_start3A_786 = tpu.memref_slice %arg8[%dma_start3A_785] : memref<1344xi32, #tpu.memory_space<vmem>> -> memref<104xi32, #tpu.memory_space<vmem>>
    %dma_start3A_787 = arith.constant 0 : i32
    %dma_start3A_788 = tpu.memref_slice %arg4[%dma_start3A_787] : memref<100663296xf32, #tpu.memory_space<hbm>> -> memref<100663296xf32, #tpu.memory_space<hbm>>
    tpu.enqueue_indirect_dma source(%dma_start3A_788 : memref<100663296xf32, #tpu.memory_space<hbm>>) target(%dma_start3A_784 : memref<104xf32, #tpu.memory_space<vmem>>) offsets(%dma_start3A_786 : memref<104xi32, #tpu.memory_space<vmem>>) semaphore(%arg10 : memref<!tpu.dma_semaphore, #tpu.memory_space<semaphore_mem>>)
    %dma_start3A_789 = arith.constant 256 : i32
    %dma_start3A_790 = tpu.memref_slice %arg9[%dma_start3A_789] : memref<1536xf32, #tpu.memory_space<vmem>> -> memref<104xf32, #tpu.memory_space<vmem>>
    %dma_start3A_791 = arith.constant 224 : i32
    %dma_start3A_792 = tpu.memref_slice %arg8[%dma_start3A_791] : memref<1344xi32, #tpu.memory_space<vmem>> -> memref<104xi32, #tpu.memory_space<vmem>>
    %dma_start3A_793 = arith.constant 0 : i32
    %dma_start3A_794 = tpu.memref_slice %arg4[%dma_start3A_793] : memref<100663296xf32, #tpu.memory_space<hbm>> -> memref<100663296xf32, #tpu.memory_space<hbm>>
    tpu.enqueue_indirect_dma source(%dma_start3A_794 : memref<100663296xf32, #tpu.memory_space<hbm>>) target(%dma_start3A_790 : memref<104xf32, #tpu.memory_space<vmem>>) offsets(%dma_start3A_792 : memref<104xi32, #tpu.memory_space<vmem>>) semaphore(%arg10 : memref<!tpu.dma_semaphore, #tpu.memory_space<semaphore_mem>>)
    %dma_start3A_795 = arith.constant 384 : i32
    %dma_start3A_796 = tpu.memref_slice %arg9[%dma_start3A_795] : memref<1536xf32, #tpu.memory_space<vmem>> -> memref<104xf32, #tpu.memory_space<vmem>>
    %dma_start3A_797 = arith.constant 336 : i32
    %dma_start3A_798 = tpu.memref_slice %arg8[%dma_start3A_797] : memref<1344xi32, #tpu.memory_space<vmem>> -> memref<104xi32, #tpu.memory_space<vmem>>
    %dma_start3A_799 = arith.constant 0 : i32
    %dma_start3A_800 = tpu.memref_slice %arg4[%dma_start3A_799] : memref<100663296xf32, #tpu.memory_space<hbm>> -> memref<100663296xf32, #tpu.memory_space<hbm>>
    tpu.enqueue_indirect_dma source(%dma_start3A_800 : memref<100663296xf32, #tpu.memory_space<hbm>>) target(%dma_start3A_796 : memref<104xf32, #tpu.memory_space<vmem>>) offsets(%dma_start3A_798 : memref<104xi32, #tpu.memory_space<vmem>>) semaphore(%arg10 : memref<!tpu.dma_semaphore, #tpu.memory_space<semaphore_mem>>)
    %dma_start3A_801 = arith.constant 512 : i32
    %dma_start3A_802 = tpu.memref_slice %arg9[%dma_start3A_801] : memref<1536xf32, #tpu.memory_space<vmem>> -> memref<104xf32, #tpu.memory_space<vmem>>
    %dma_start3A_803 = arith.constant 448 : i32
    %dma_start3A_804 = tpu.memref_slice %arg8[%dma_start3A_803] : memref<1344xi32, #tpu.memory_space<vmem>> -> memref<104xi32, #tpu.memory_space<vmem>>
    %dma_start3A_805 = arith.constant 0 : i32
    %dma_start3A_806 = tpu.memref_slice %arg4[%dma_start3A_805] : memref<100663296xf32, #tpu.memory_space<hbm>> -> memref<100663296xf32, #tpu.memory_space<hbm>>
    tpu.enqueue_indirect_dma source(%dma_start3A_806 : memref<100663296xf32, #tpu.memory_space<hbm>>) target(%dma_start3A_802 : memref<104xf32, #tpu.memory_space<vmem>>) offsets(%dma_start3A_804 : memref<104xi32, #tpu.memory_space<vmem>>) semaphore(%arg10 : memref<!tpu.dma_semaphore, #tpu.memory_space<semaphore_mem>>)
    %dma_start3A_807 = arith.constant 640 : i32
    %dma_start3A_808 = tpu.memref_slice %arg9[%dma_start3A_807] : memref<1536xf32, #tpu.memory_space<vmem>> -> memref<104xf32, #tpu.memory_space<vmem>>
    %dma_start3A_809 = arith.constant 560 : i32
    %dma_start3A_810 = tpu.memref_slice %arg8[%dma_start3A_809] : memref<1344xi32, #tpu.memory_space<vmem>> -> memref<104xi32, #tpu.memory_space<vmem>>
    %dma_start3A_811 = arith.constant 0 : i32
    %dma_start3A_812 = tpu.memref_slice %arg4[%dma_start3A_811] : memref<100663296xf32, #tpu.memory_space<hbm>> -> memref<100663296xf32, #tpu.memory_space<hbm>>
    tpu.enqueue_indirect_dma source(%dma_start3A_812 : memref<100663296xf32, #tpu.memory_space<hbm>>) target(%dma_start3A_808 : memref<104xf32, #tpu.memory_space<vmem>>) offsets(%dma_start3A_810 : memref<104xi32, #tpu.memory_space<vmem>>) semaphore(%arg10 : memref<!tpu.dma_semaphore, #tpu.memory_space<semaphore_mem>>)
    %dma_start3A_813 = arith.constant 768 : i32
    %dma_start3A_814 = tpu.memref_slice %arg9[%dma_start3A_813] : memref<1536xf32, #tpu.memory_space<vmem>> -> memref<104xf32, #tpu.memory_space<vmem>>
    %dma_start3A_815 = arith.constant 672 : i32
    %dma_start3A_816 = tpu.memref_slice %arg8[%dma_start3A_815] : memref<1344xi32, #tpu.memory_space<vmem>> -> memref<104xi32, #tpu.memory_space<vmem>>
    %dma_start3A_817 = arith.constant 0 : i32
    %dma_start3A_818 = tpu.memref_slice %arg4[%dma_start3A_817] : memref<100663296xf32, #tpu.memory_space<hbm>> -> memref<100663296xf32, #tpu.memory_space<hbm>>
    tpu.enqueue_indirect_dma source(%dma_start3A_818 : memref<100663296xf32, #tpu.memory_space<hbm>>) target(%dma_start3A_814 : memref<104xf32, #tpu.memory_space<vmem>>) offsets(%dma_start3A_816 : memref<104xi32, #tpu.memory_space<vmem>>) semaphore(%arg10 : memref<!tpu.dma_semaphore, #tpu.memory_space<semaphore_mem>>)
    %dma_start3A_819 = arith.constant 896 : i32
    %dma_start3A_820 = tpu.memref_slice %arg9[%dma_start3A_819] : memref<1536xf32, #tpu.memory_space<vmem>> -> memref<104xf32, #tpu.memory_space<vmem>>
    %dma_start3A_821 = arith.constant 784 : i32
    %dma_start3A_822 = tpu.memref_slice %arg8[%dma_start3A_821] : memref<1344xi32, #tpu.memory_space<vmem>> -> memref<104xi32, #tpu.memory_space<vmem>>
    %dma_start3A_823 = arith.constant 0 : i32
    %dma_start3A_824 = tpu.memref_slice %arg4[%dma_start3A_823] : memref<100663296xf32, #tpu.memory_space<hbm>> -> memref<100663296xf32, #tpu.memory_space<hbm>>
    tpu.enqueue_indirect_dma source(%dma_start3A_824 : memref<100663296xf32, #tpu.memory_space<hbm>>) target(%dma_start3A_820 : memref<104xf32, #tpu.memory_space<vmem>>) offsets(%dma_start3A_822 : memref<104xi32, #tpu.memory_space<vmem>>) semaphore(%arg10 : memref<!tpu.dma_semaphore, #tpu.memory_space<semaphore_mem>>)
    %dma_start3A_825 = arith.constant 1024 : i32
    %dma_start3A_826 = tpu.memref_slice %arg9[%dma_start3A_825] : memref<1536xf32, #tpu.memory_space<vmem>> -> memref<104xf32, #tpu.memory_space<vmem>>
    %dma_start3A_827 = arith.constant 896 : i32
    %dma_start3A_828 = tpu.memref_slice %arg8[%dma_start3A_827] : memref<1344xi32, #tpu.memory_space<vmem>> -> memref<104xi32, #tpu.memory_space<vmem>>
    %dma_start3A_829 = arith.constant 0 : i32
    %dma_start3A_830 = tpu.memref_slice %arg4[%dma_start3A_829] : memref<100663296xf32, #tpu.memory_space<hbm>> -> memref<100663296xf32, #tpu.memory_space<hbm>>
    tpu.enqueue_indirect_dma source(%dma_start3A_830 : memref<100663296xf32, #tpu.memory_space<hbm>>) target(%dma_start3A_826 : memref<104xf32, #tpu.memory_space<vmem>>) offsets(%dma_start3A_828 : memref<104xi32, #tpu.memory_space<vmem>>) semaphore(%arg10 : memref<!tpu.dma_semaphore, #tpu.memory_space<semaphore_mem>>)
    %dma_start3A_831 = arith.constant 1152 : i32
    %dma_start3A_832 = tpu.memref_slice %arg9[%dma_start3A_831] : memref<1536xf32, #tpu.memory_space<vmem>> -> memref<104xf32, #tpu.memory_space<vmem>>
    %dma_start3A_833 = arith.constant 1008 : i32
    %dma_start3A_834 = tpu.memref_slice %arg8[%dma_start3A_833] : memref<1344xi32, #tpu.memory_space<vmem>> -> memref<104xi32, #tpu.memory_space<vmem>>
    %dma_start3A_835 = arith.constant 0 : i32
    %dma_start3A_836 = tpu.memref_slice %arg4[%dma_start3A_835] : memref<100663296xf32, #tpu.memory_space<hbm>> -> memref<100663296xf32, #tpu.memory_space<hbm>>
    tpu.enqueue_indirect_dma source(%dma_start3A_836 : memref<100663296xf32, #tpu.memory_space<hbm>>) target(%dma_start3A_832 : memref<104xf32, #tpu.memory_space<vmem>>) offsets(%dma_start3A_834 : memref<104xi32, #tpu.memory_space<vmem>>) semaphore(%arg10 : memref<!tpu.dma_semaphore, #tpu.memory_space<semaphore_mem>>)
    %dma_start3A_837 = arith.constant 1280 : i32
    %dma_start3A_838 = tpu.memref_slice %arg9[%dma_start3A_837] : memref<1536xf32, #tpu.memory_space<vmem>> -> memref<104xf32, #tpu.memory_space<vmem>>
    %dma_start3A_839 = arith.constant 1120 : i32
    %dma_start3A_840 = tpu.memref_slice %arg8[%dma_start3A_839] : memref<1344xi32, #tpu.memory_space<vmem>> -> memref<104xi32, #tpu.memory_space<vmem>>
    %dma_start3A_841 = arith.constant 0 : i32
    %dma_start3A_842 = tpu.memref_slice %arg4[%dma_start3A_841] : memref<100663296xf32, #tpu.memory_space<hbm>> -> memref<100663296xf32, #tpu.memory_space<hbm>>
    tpu.enqueue_indirect_dma source(%dma_start3A_842 : memref<100663296xf32, #tpu.memory_space<hbm>>) target(%dma_start3A_838 : memref<104xf32, #tpu.memory_space<vmem>>) offsets(%dma_start3A_840 : memref<104xi32, #tpu.memory_space<vmem>>) semaphore(%arg10 : memref<!tpu.dma_semaphore, #tpu.memory_space<semaphore_mem>>)
    %dma_start3A_843 = arith.constant 1408 : i32
    %dma_start3A_844 = tpu.memref_slice %arg9[%dma_start3A_843] : memref<1536xf32, #tpu.memory_space<vmem>> -> memref<104xf32, #tpu.memory_space<vmem>>
    %dma_start3A_845 = arith.constant 1232 : i32
    %dma_start3A_846 = tpu.memref_slice %arg8[%dma_start3A_845] : memref<1344xi32, #tpu.memory_space<vmem>> -> memref<104xi32, #tpu.memory_space<vmem>>
    %dma_start3A_847 = arith.constant 0 : i32
    %dma_start3A_848 = tpu.memref_slice %arg4[%dma_start3A_847] : memref<100663296xf32, #tpu.memory_space<hbm>> -> memref<100663296xf32, #tpu.memory_space<hbm>>
    tpu.enqueue_indirect_dma source(%dma_start3A_848 : memref<100663296xf32, #tpu.memory_space<hbm>>) target(%dma_start3A_844 : memref<104xf32, #tpu.memory_space<vmem>>) offsets(%dma_start3A_846 : memref<104xi32, #tpu.memory_space<vmem>>) semaphore(%arg10 : memref<!tpu.dma_semaphore, #tpu.memory_space<semaphore_mem>>)
    %dma_wait3A_849 = arith.constant 0 : i32
    %dma_wait3A_850 = tpu.memref_slice %arg9[%dma_wait3A_849] : memref<1536xf32, #tpu.memory_space<vmem>> -> memref<104xf32, #tpu.memory_space<vmem>>
    %dma_wait3A_851 = arith.constant 0 : i32
    %dma_wait3A_852 = tpu.memref_slice %arg8[%dma_wait3A_851] : memref<1344xi32, #tpu.memory_space<vmem>> -> memref<104xi32, #tpu.memory_space<vmem>>
    %dma_wait3A_853 = arith.constant 0 : i32
    %dma_wait3A_854 = tpu.memref_slice %arg4[%dma_wait3A_853] : memref<100663296xf32, #tpu.memory_space<hbm>> -> memref<100663296xf32, #tpu.memory_space<hbm>>
    tpu.wait_indirect_dma semaphore(%arg10 : memref<!tpu.dma_semaphore, #tpu.memory_space<semaphore_mem>>) src(%dma_wait3A_854 : memref<100663296xf32, #tpu.memory_space<hbm>>) dst(%dma_wait3A_850 : memref<104xf32, #tpu.memory_space<vmem>>)
    %dma_wait3A_855 = arith.constant 128 : i32
    %dma_wait3A_856 = tpu.memref_slice %arg9[%dma_wait3A_855] : memref<1536xf32, #tpu.memory_space<vmem>> -> memref<104xf32, #tpu.memory_space<vmem>>
    %dma_wait3A_857 = arith.constant 112 : i32
    %dma_wait3A_858 = tpu.memref_slice %arg8[%dma_wait3A_857] : memref<1344xi32, #tpu.memory_space<vmem>> -> memref<104xi32, #tpu.memory_space<vmem>>
    %dma_wait3A_859 = arith.constant 0 : i32
    %dma_wait3A_860 = tpu.memref_slice %arg4[%dma_wait3A_859] : memref<100663296xf32, #tpu.memory_space<hbm>> -> memref<100663296xf32, #tpu.memory_space<hbm>>
    tpu.wait_indirect_dma semaphore(%arg10 : memref<!tpu.dma_semaphore, #tpu.memory_space<semaphore_mem>>) src(%dma_wait3A_860 : memref<100663296xf32, #tpu.memory_space<hbm>>) dst(%dma_wait3A_856 : memref<104xf32, #tpu.memory_space<vmem>>)
    %dma_wait3A_861 = arith.constant 256 : i32
    %dma_wait3A_862 = tpu.memref_slice %arg9[%dma_wait3A_861] : memref<1536xf32, #tpu.memory_space<vmem>> -> memref<104xf32, #tpu.memory_space<vmem>>
    %dma_wait3A_863 = arith.constant 224 : i32
    %dma_wait3A_864 = tpu.memref_slice %arg8[%dma_wait3A_863] : memref<1344xi32, #tpu.memory_space<vmem>> -> memref<104xi32, #tpu.memory_space<vmem>>
    %dma_wait3A_865 = arith.constant 0 : i32
    %dma_wait3A_866 = tpu.memref_slice %arg4[%dma_wait3A_865] : memref<100663296xf32, #tpu.memory_space<hbm>> -> memref<100663296xf32, #tpu.memory_space<hbm>>
    tpu.wait_indirect_dma semaphore(%arg10 : memref<!tpu.dma_semaphore, #tpu.memory_space<semaphore_mem>>) src(%dma_wait3A_866 : memref<100663296xf32, #tpu.memory_space<hbm>>) dst(%dma_wait3A_862 : memref<104xf32, #tpu.memory_space<vmem>>)
    %dma_wait3A_867 = arith.constant 384 : i32
    %dma_wait3A_868 = tpu.memref_slice %arg9[%dma_wait3A_867] : memref<1536xf32, #tpu.memory_space<vmem>> -> memref<104xf32, #tpu.memory_space<vmem>>
    %dma_wait3A_869 = arith.constant 336 : i32
    %dma_wait3A_870 = tpu.memref_slice %arg8[%dma_wait3A_869] : memref<1344xi32, #tpu.memory_space<vmem>> -> memref<104xi32, #tpu.memory_space<vmem>>
    %dma_wait3A_871 = arith.constant 0 : i32
    %dma_wait3A_872 = tpu.memref_slice %arg4[%dma_wait3A_871] : memref<100663296xf32, #tpu.memory_space<hbm>> -> memref<100663296xf32, #tpu.memory_space<hbm>>
    tpu.wait_indirect_dma semaphore(%arg10 : memref<!tpu.dma_semaphore, #tpu.memory_space<semaphore_mem>>) src(%dma_wait3A_872 : memref<100663296xf32, #tpu.memory_space<hbm>>) dst(%dma_wait3A_868 : memref<104xf32, #tpu.memory_space<vmem>>)
    %dma_wait3A_873 = arith.constant 512 : i32
    %dma_wait3A_874 = tpu.memref_slice %arg9[%dma_wait3A_873] : memref<1536xf32, #tpu.memory_space<vmem>> -> memref<104xf32, #tpu.memory_space<vmem>>
    %dma_wait3A_875 = arith.constant 448 : i32
    %dma_wait3A_876 = tpu.memref_slice %arg8[%dma_wait3A_875] : memref<1344xi32, #tpu.memory_space<vmem>> -> memref<104xi32, #tpu.memory_space<vmem>>
    %dma_wait3A_877 = arith.constant 0 : i32
    %dma_wait3A_878 = tpu.memref_slice %arg4[%dma_wait3A_877] : memref<100663296xf32, #tpu.memory_space<hbm>> -> memref<100663296xf32, #tpu.memory_space<hbm>>
    tpu.wait_indirect_dma semaphore(%arg10 : memref<!tpu.dma_semaphore, #tpu.memory_space<semaphore_mem>>) src(%dma_wait3A_878 : memref<100663296xf32, #tpu.memory_space<hbm>>) dst(%dma_wait3A_874 : memref<104xf32, #tpu.memory_space<vmem>>)
    %dma_wait3A_879 = arith.constant 640 : i32
    %dma_wait3A_880 = tpu.memref_slice %arg9[%dma_wait3A_879] : memref<1536xf32, #tpu.memory_space<vmem>> -> memref<104xf32, #tpu.memory_space<vmem>>
    %dma_wait3A_881 = arith.constant 560 : i32
    %dma_wait3A_882 = tpu.memref_slice %arg8[%dma_wait3A_881] : memref<1344xi32, #tpu.memory_space<vmem>> -> memref<104xi32, #tpu.memory_space<vmem>>
    %dma_wait3A_883 = arith.constant 0 : i32
    %dma_wait3A_884 = tpu.memref_slice %arg4[%dma_wait3A_883] : memref<100663296xf32, #tpu.memory_space<hbm>> -> memref<100663296xf32, #tpu.memory_space<hbm>>
    tpu.wait_indirect_dma semaphore(%arg10 : memref<!tpu.dma_semaphore, #tpu.memory_space<semaphore_mem>>) src(%dma_wait3A_884 : memref<100663296xf32, #tpu.memory_space<hbm>>) dst(%dma_wait3A_880 : memref<104xf32, #tpu.memory_space<vmem>>)
    %dma_wait3A_885 = arith.constant 768 : i32
    %dma_wait3A_886 = tpu.memref_slice %arg9[%dma_wait3A_885] : memref<1536xf32, #tpu.memory_space<vmem>> -> memref<104xf32, #tpu.memory_space<vmem>>
    %dma_wait3A_887 = arith.constant 672 : i32
    %dma_wait3A_888 = tpu.memref_slice %arg8[%dma_wait3A_887] : memref<1344xi32, #tpu.memory_space<vmem>> -> memref<104xi32, #tpu.memory_space<vmem>>
    %dma_wait3A_889 = arith.constant 0 : i32
    %dma_wait3A_890 = tpu.memref_slice %arg4[%dma_wait3A_889] : memref<100663296xf32, #tpu.memory_space<hbm>> -> memref<100663296xf32, #tpu.memory_space<hbm>>
    tpu.wait_indirect_dma semaphore(%arg10 : memref<!tpu.dma_semaphore, #tpu.memory_space<semaphore_mem>>) src(%dma_wait3A_890 : memref<100663296xf32, #tpu.memory_space<hbm>>) dst(%dma_wait3A_886 : memref<104xf32, #tpu.memory_space<vmem>>)
    %dma_wait3A_891 = arith.constant 896 : i32
    %dma_wait3A_892 = tpu.memref_slice %arg9[%dma_wait3A_891] : memref<1536xf32, #tpu.memory_space<vmem>> -> memref<104xf32, #tpu.memory_space<vmem>>
    %dma_wait3A_893 = arith.constant 784 : i32
    %dma_wait3A_894 = tpu.memref_slice %arg8[%dma_wait3A_893] : memref<1344xi32, #tpu.memory_space<vmem>> -> memref<104xi32, #tpu.memory_space<vmem>>
    %dma_wait3A_895 = arith.constant 0 : i32
    %dma_wait3A_896 = tpu.memref_slice %arg4[%dma_wait3A_895] : memref<100663296xf32, #tpu.memory_space<hbm>> -> memref<100663296xf32, #tpu.memory_space<hbm>>
    tpu.wait_indirect_dma semaphore(%arg10 : memref<!tpu.dma_semaphore, #tpu.memory_space<semaphore_mem>>) src(%dma_wait3A_896 : memref<100663296xf32, #tpu.memory_space<hbm>>) dst(%dma_wait3A_892 : memref<104xf32, #tpu.memory_space<vmem>>)
    %dma_wait3A_897 = arith.constant 1024 : i32
    %dma_wait3A_898 = tpu.memref_slice %arg9[%dma_wait3A_897] : memref<1536xf32, #tpu.memory_space<vmem>> -> memref<104xf32, #tpu.memory_space<vmem>>
    %dma_wait3A_899 = arith.constant 896 : i32
    %dma_wait3A_900 = tpu.memref_slice %arg8[%dma_wait3A_899] : memref<1344xi32, #tpu.memory_space<vmem>> -> memref<104xi32, #tpu.memory_space<vmem>>
    %dma_wait3A_901 = arith.constant 0 : i32
    %dma_wait3A_902 = tpu.memref_slice %arg4[%dma_wait3A_901] : memref<100663296xf32, #tpu.memory_space<hbm>> -> memref<100663296xf32, #tpu.memory_space<hbm>>
    tpu.wait_indirect_dma semaphore(%arg10 : memref<!tpu.dma_semaphore, #tpu.memory_space<semaphore_mem>>) src(%dma_wait3A_902 : memref<100663296xf32, #tpu.memory_space<hbm>>) dst(%dma_wait3A_898 : memref<104xf32, #tpu.memory_space<vmem>>)
    %dma_wait3A_903 = arith.constant 1152 : i32
    %dma_wait3A_904 = tpu.memref_slice %arg9[%dma_wait3A_903] : memref<1536xf32, #tpu.memory_space<vmem>> -> memref<104xf32, #tpu.memory_space<vmem>>
    %dma_wait3A_905 = arith.constant 1008 : i32
    %dma_wait3A_906 = tpu.memref_slice %arg8[%dma_wait3A_905] : memref<1344xi32, #tpu.memory_space<vmem>> -> memref<104xi32, #tpu.memory_space<vmem>>
    %dma_wait3A_907 = arith.constant 0 : i32
    %dma_wait3A_908 = tpu.memref_slice %arg4[%dma_wait3A_907] : memref<100663296xf32, #tpu.memory_space<hbm>> -> memref<100663296xf32, #tpu.memory_space<hbm>>
    tpu.wait_indirect_dma semaphore(%arg10 : memref<!tpu.dma_semaphore, #tpu.memory_space<semaphore_mem>>) src(%dma_wait3A_908 : memref<100663296xf32, #tpu.memory_space<hbm>>) dst(%dma_wait3A_904 : memref<104xf32, #tpu.memory_space<vmem>>)
    %dma_wait3A_909 = arith.constant 1280 : i32
    %dma_wait3A_910 = tpu.memref_slice %arg9[%dma_wait3A_909] : memref<1536xf32, #tpu.memory_space<vmem>> -> memref<104xf32, #tpu.memory_space<vmem>>
    %dma_wait3A_911 = arith.constant 1120 : i32
    %dma_wait3A_912 = tpu.memref_slice %arg8[%dma_wait3A_911] : memref<1344xi32, #tpu.memory_space<vmem>> -> memref<104xi32, #tpu.memory_space<vmem>>
    %dma_wait3A_913 = arith.constant 0 : i32
    %dma_wait3A_914 = tpu.memref_slice %arg4[%dma_wait3A_913] : memref<100663296xf32, #tpu.memory_space<hbm>> -> memref<100663296xf32, #tpu.memory_space<hbm>>
    tpu.wait_indirect_dma semaphore(%arg10 : memref<!tpu.dma_semaphore, #tpu.memory_space<semaphore_mem>>) src(%dma_wait3A_914 : memref<100663296xf32, #tpu.memory_space<hbm>>) dst(%dma_wait3A_910 : memref<104xf32, #tpu.memory_space<vmem>>)
    %dma_wait3A_915 = arith.constant 1408 : i32
    %dma_wait3A_916 = tpu.memref_slice %arg9[%dma_wait3A_915] : memref<1536xf32, #tpu.memory_space<vmem>> -> memref<104xf32, #tpu.memory_space<vmem>>
    %dma_wait3A_917 = arith.constant 1232 : i32
    %dma_wait3A_918 = tpu.memref_slice %arg8[%dma_wait3A_917] : memref<1344xi32, #tpu.memory_space<vmem>> -> memref<104xi32, #tpu.memory_space<vmem>>
    %dma_wait3A_919 = arith.constant 0 : i32
    %dma_wait3A_920 = tpu.memref_slice %arg4[%dma_wait3A_919] : memref<100663296xf32, #tpu.memory_space<hbm>> -> memref<100663296xf32, #tpu.memory_space<hbm>>
    tpu.wait_indirect_dma semaphore(%arg10 : memref<!tpu.dma_semaphore, #tpu.memory_space<semaphore_mem>>) src(%dma_wait3A_920 : memref<100663296xf32, #tpu.memory_space<hbm>>) dst(%dma_wait3A_916 : memref<104xf32, #tpu.memory_space<vmem>>)
    %mul3A_921 = arith.constant 1536 : i32
    %mul3A_922 = arith.muli %add3A, %mul3A_921 : i32
    "tpu.region"() ({
      %run_scoped3A = tpu.sem_alloc : memref<!tpu.dma_semaphore, #tpu.memory_space<semaphore_mem>>
      %dma_start3A_923 = tpu.memref_slice %arg5[%mul3A_922] : memref<49152xf32, #tpu.memory_space<hbm>> -> memref<1536xf32, #tpu.memory_space<hbm>>
      %dma_start3A_924 = tpu.memref_slice %arg5[%mul3A_922] : memref<49152xf32, #tpu.memory_space<hbm>> -> memref<1536xf32, #tpu.memory_space<hbm>>
      tpu.enqueue_dma source(%arg9 : memref<1536xf32, #tpu.memory_space<vmem>>) target(%dma_start3A_924 : memref<1536xf32, #tpu.memory_space<hbm>>) target_semaphore(%run_scoped3A : memref<!tpu.dma_semaphore, #tpu.memory_space<semaphore_mem>>)
      %dma_wait3A_925 = tpu.memref_slice %arg5[%mul3A_922] : memref<49152xf32, #tpu.memory_space<hbm>> -> memref<1536xf32, #tpu.memory_space<hbm>>
      %dma_wait3A_926 = tpu.memref_slice %arg5[%mul3A_922] : memref<49152xf32, #tpu.memory_space<hbm>> -> memref<1536xf32, #tpu.memory_space<hbm>>
      tpu.wait_dma2 semaphore(%run_scoped3A : memref<!tpu.dma_semaphore, #tpu.memory_space<semaphore_mem>>) src(%arg9 : memref<1536xf32, #tpu.memory_space<vmem>>) dst(%dma_wait3A_926 : memref<1536xf32, #tpu.memory_space<hbm>>)
      tpu.yield
    }) : () -> ()
    return
  }
}

</mosaic_0001>

<sc_bundles>
// kernel: kernel.3.cloned.1.call-start
scs
__scs_entry_jumppad:
0x0: {  	(pc) =	sbr.rel $0x88, $3  }
0x1: {  	(tag) =	ssettag $0x0;
	lr =	simm.s32 $0x1  }
0x2: {  	[smem:$0x3F9E] =	sst lr;
	_ =	strace $0xD0000000  }
0x3: {  	_ = 	snop  }
0x4: {  	_ = 	snop  }
0x5: {  	_ = 	snop  }
0x6: {  	_ = 	snop  }
0x7: {  	_ = 	snop  }
__scs_overlays_trampoline_lowered:
0x8: {  	[smem:$0x3FAD] =	sst s0  }
0x9: {  	[smem:$0x3FAE] =	sst s1  }
0xa: {  	[smem:$0x3FAF] =	sst s2  }
0xb: {  	[smem:$0x3FB0] =	sst s3  }
0xc: {  	[smem:$0x3FB1] =	sst s4  }
0xd: {  	[smem:$0x3FB2] =	sst s5  }
0xe: {  	[smem:$0x3FB3] =	sst s6  }
0xf: {  	[smem:$0x3FB4] =	sst s7  }
0x10: {  	[smem:$0x3FB5] =	sst s8  }
0x11: {  	[smem:$0x3FB6] =	sst s9;
	s0 =	simm.s32 @!p0 $0x0  }
0x12: {  	s1 =	sld [smem:$0x3F9C];
	s0 =	simm.s32 @p0 $0x1  }
0x13: {  	[smem:$0x3FB7] =	sst s0;
	s0 =	simm.s32 @!p1 $0x0  }
0x14: {  	s2 =	sld [smem:$0x3F9B];
	s0 =	simm.s32 @p1 $0x1  }
0x15: {  	[smem:$0x3FB8] =	sst s0;
	s0 =	simm.s32 @!p2 $0x0  }
0x16: {  	s3 =	sld [smem:$0x3FDB];
	s0 =	simm.s32 @p2 $0x1  }
0x17: {  	s4 =	simm.s32 $0x1BF5;
	[smem:$0x3FBA] =	sst s0  }
0x18: {  	s0 =	sld [smem:$0x3F9D];
	_ =	swait.ge [sflag:s4], $0x0  }
0x19: {  	s7 =	sld [smem:$0x3F9E]  }
0x1a: {  	s8 =	sadd.s32 $0xFFFFE003, lr  }
0x1b: {  	s9 =	sadd.s32 $0xFFFFFEF7, lr;
	s5 =	simm.s32 $0xFFFFFFFF;
	p2 =	slt.u32 s8, $0xFFFFF086  }
0x1c: {  	p1 =	slt.u32 s9, $0xF7A;
	s5 =	simm.s32 @!p2 $0x0  }
0x1d: {  	s5 =	simm.s32 @p1 $0x1;
	p0 =	seq.s32 s7, s2  }
0x1e: {  	s7 =	smul.u32 @!p0 $0xF7A, s2;
	p2 =	seq.s32 @!p0 s5, $0x0  }
0x1f: {  	s9 =	smul.u32 $0xF7A, s1;
	s8 =	simm.s32 @!p0 $0x1BF5;
	p2 =	por !p2, p0  }
0x20: {  	[sflag:s8] =	ssyncset.s32 @!p0 $0xFFFFF086;
	s6 =	sadd.s32 @!p0 s3, s7;
	s7 =	simm.s32 @!p0 $0x108  }
0x21: {  	s3 =	sadd.s32 s3, s9;
	s6 =	sadd.s32 @!p0 $0x88, s6;
	s7 =	simm.s32 @p2 $0x1082  }
0x22: {  	[simem:s7], [sflag:s8] =	dma.local @!p0 [hbm:s6], $0xF7A  }
0x23: {  	s9 =	sor.u32 $0xD0000000, s2;
	s6 =	simm.s32 $0x108;
	_ =	swait.ge @!p0 [sflag:s8], $0x0  }
0x24: {  	s3 =	sadd.s32 $0x88, s3;
	s6 =	simm.s32 @!p1 $0x1082;
	[sflag:s4] =	ssyncset.s32 $0xFFFFF086  }
0x25: {  	[simem:s6], [sflag:s4] =	dma.local [hbm:s3], $0xF7A  }
0x26: {  	[smem:$0x3F9E] =	sst s1;
	(tag) =	ssettag s2;
	_ =	strace s9  }
0x27: {  	s1 =	sld [smem:$0x3FAE]  }
0x28: {  	s2 =	sld [smem:$0x3FAF]  }
0x29: {  	s4 =	sld [smem:$0x3FB1]  }
0x2a: {  	p0 =	seq.s32 s5, $0x0;
	s5 =	sld [smem:$0x3FB2]  }
0x2b: {  	s6 =	sld [smem:$0x3FB3]  }
0x2c: {  	s7 =	sld [smem:$0x3FB4]  }
0x2d: {  	s3 =	simm.s32 $0x108;
	s8 =	sld [smem:$0x3FB5]  }
0x2e: {  	s3 =	simm.s32 @!p0 $0x1082;
	s9 =	sld [smem:$0x3FB6]  }
0x2f: {  	lr =	sadd.s32 s0, s3;
	s0 =	sld [smem:$0x3FAD]  }
0x30: {  	s3 =	sld [smem:$0x3FB0]  }
0x31: {  	[smem:$0x3FB9] =	sst s10  }
0x32: {  	s10 =	sld [smem:$0x3FB7];
	_ =	sdelay $0x3  }
0x33: {  	p0 =	seq.s32 s10, $0x1;
	s10 =	sld [smem:$0x3FB9];
	_ =	sdelay $0x3  }
0x34: {  	[smem:$0x3FB9] =	sst s10  }
0x35: {  	s10 =	sld [smem:$0x3FB8];
	_ =	sdelay $0x3  }
0x36: {  	p1 =	seq.s32 s10, $0x1;
	s10 =	sld [smem:$0x3FB9];
	_ =	sdelay $0x3  }
0x37: {  	[smem:$0x3FB9] =	sst s10  }
0x38: {  	s10 =	sld [smem:$0x3FBA]  }
0x39: {  	_ = 	snop;
	(pc) =	sbr.ind lr, $3  }
0x3a: {  	_ = 	snop  }
0x3b: {  	_ = 	snop  }
0x3c: {  	p2 =	seq.s32 s10, $0x1;
	s10 =	sld [smem:$0x3FB9]  }
0x3d: {  	_ =	shalt  }
0x3e: {  	_ =	shalt  }
0x3f: {  	_ =	shalt  }
0x40: {  	_ =	shalt  }
0x41: {  	_ =	shalt  }
0x42: {  	_ =	shalt  }
0x43: {  	_ =	shalt  }
0x44: {  	_ =	shalt  }
0x45: {  	_ =	shalt  }
0x46: {  	_ =	shalt  }
0x47: {  	_ =	shalt  }
0x48: {  	_ =	shalt  }
0x49: {  	_ =	shalt  }
0x4a: {  	_ =	shalt  }
0x4b: {  	_ =	shalt  }
0x4c: {  	_ =	shalt  }
0x4d: {  	_ =	shalt  }
0x4e: {  	_ =	shalt  }
0x4f: {  	_ =	shalt  }
0x50: {  	_ =	shalt  }
0x51: {  	_ =	shalt  }
0x52: {  	_ =	shalt  }
0x53: {  	_ =	shalt  }
0x54: {  	_ =	shalt  }
0x55: {  	_ =	shalt  }
0x56: {  	_ =	shalt  }
0x57: {  	_ =	shalt  }
0x58: {  	_ =	shalt  }
0x59: {  	_ =	shalt  }
0x5a: {  	_ =	shalt  }
0x5b: {  	_ =	shalt  }
0x5c: {  	_ =	shalt  }
0x5d: {  	_ =	shalt  }
0x5e: {  	_ =	shalt  }
0x5f: {  	_ =	shalt  }
0x60: {  	_ =	shalt  }
0x61: {  	_ =	shalt  }
0x62: {  	_ =	shalt  }
0x63: {  	_ =	shalt  }
0x64: {  	_ =	shalt  }
0x65: {  	_ =	shalt  }
0x66: {  	_ =	shalt  }
0x67: {  	_ =	shalt  }
0x68: {  	_ =	shalt  }
0x69: {  	_ =	shalt  }
0x6a: {  	_ =	shalt  }
0x6b: {  	_ =	shalt  }
0x6c: {  	_ =	shalt  }
0x6d: {  	_ =	shalt  }
0x6e: {  	_ =	shalt  }
0x6f: {  	_ =	shalt  }
0x70: {  	_ =	shalt  }
0x71: {  	_ =	shalt  }
0x72: {  	_ =	shalt  }
0x73: {  	_ =	shalt  }
0x74: {  	_ =	shalt  }
0x75: {  	_ =	shalt  }
0x76: {  	_ =	shalt  }
0x77: {  	_ =	shalt  }
0x78: {  	_ =	shalt  }
0x79: {  	_ =	shalt  }
0x7a: {  	_ =	shalt  }
0x7b: {  	_ =	shalt  }
0x7c: {  	_ =	shalt  }
0x7d: {  	_ =	shalt  }
0x7e: {  	_ =	shalt  }
0x7f: {  	_ =	shalt  }
0x80: {  	_ =	shalt  }
0x81: {  	_ =	shalt  }
0x82: {  	_ =	shalt  }
0x83: {  	_ =	shalt  }
0x84: {  	_ =	shalt  }
0x85: {  	_ =	shalt  }
0x86: {  	_ =	shalt  }
0x87: {  	_ =	shalt  }
.Lfunc_end0:
.L_simem_size_0:
called_computation_lowered:
.L_overlay_start_0:
0x88: {  	s2 =	sld [smem:$0x3FD9]  }
0x89: {  	s3 =	sld [smem:$0x3FFE];
	_ =	sdelay $0x1  }
0x8a: {  	s1 =	srdreg.scid  }
0x8b: {  	s0 =	sand.u32 $0x1, s1  }
0x8c: {  	s18 =	sshll.u32 s0, $0xA;
	s2 =	sadd.s32 s3, s2  }
0x8d: {  	s2 =	sadd.s32 s2, s18  }
0x8e: {  	[smem:$0x3FC5] =	sst s2  }
0x8f: {  	_ = 	snop  }
0x90: {  	s2 =	sld [smem:$0x3FC9]  }
0x91: {  	s19 =	sld [smem:$0x3FC8]  }
0x92: {  	s4 =	sld [smem:$0x3FC7]  }
0x93: {  	s5 =	sld [smem:$0x3FD0];
	(tm) =	ssettm $0x1  }
0x94: {  	s6 =	sld [smem:$0x3FFB];
	_ =	sdelay $0x3  }
0x95: {  	_ =	strace s6  }
0x96: {  	s6 =	sld [smem:$0x3FFC];
	_ =	sdelay $0x3  }
0x97: {  	_ =	strace s6  }
0x98: {  	s6 =	sld [smem:$0x3FFD];
	_ =	sdelay $0x3  }
0x99: {  	_ =	strace s6  }
0x9a: {  	_ =	strace $0x8FFFFFFF  }
0x9b: {  	s20 =	sld [smem:$0x3FDB];
	_ =	sdelay $0x1  }
0x9c: {  	s7 =	simm.s32 $_scs_section_size  }
0x9d: {  	s8 =	simm.s32 $_size__tile_overlayer_lowered;
	s9 =	simm.s32 $_tile_overlayer_lowered  }
0x9e: {  	s23 =	simm.s32 $0x1BFF;
	s22 =	sshll.u32 s9, $0x1;
	s6 =	sadd.s32 s7, s20  }
0x9f: {  	s10 =	simm.s32 $0x0;
	s21 =	sshll.u32 s8, $0x1;
	s8 =	sadd.s32 s22, s6  }
0xa0: {  	[timem:s10], [sflag:s23] =	dma.local [hbm:s8], s21  }
0xa1: {  	_ =	swait.ge [sflag:s23], s21  }
0xa2: {  	s7 =	ssub.s32 $0x0, s21;
	[sflag:s23] =	ssyncset.done $0x0  }
0xa3: {  	[sflag:s23] =	ssyncadd.s32 s7;
	_ =	sdelay $0x1  }
0xa4: {  	s24 =	simm.s32 $0x1B8B  }
0xa5: {  	_ =	swait.ge [sflag:s24], $0x1  }
0xa6: {  	[sflag:s24] =	ssyncset.done $0x0  }
0xa7: {  	s25 =	simm.s32 $0x1B8E;
	[sflag:s24] =	ssyncadd.s32 $0xFFFFFFFF  }
0xa8: {  	s26 =	simm.s32 $execute0_lowered;
	[smem:$0x3FD2] =	sst s25  }
0xa9: {  	s7 =	sshll.u32 s26, $0x1;
	_ =	strace $0x80000046;
	[dreg:$0x1] =	wrdreg $0xFFFFFFFF  }
0xaa: {  	s28 =	simm.s32 $_size_execute0_lowered;
	s6 =	sadd.s32 s6, s7;
	[dreg:$0x0] =	wrdreg $0x0  }
0xab: {  	s7 =	sshll.u32 s28, $0x1;
	[dreg:$0x2] =	wrdreg s6  }
0xac: {  	[dreg:$0x3] =	wrdreg s7  }
0xad: {  	[dreg:$0x4] =	wrdreg $0xC0  }
0xae: {  	_ =	task [dreg:s10], $0x5FFFF  }
0xaf: {  	[dreg:$0x1] =	wrdreg $0xFFFFFFFF  }
0xb0: {  	[dreg:$0x0] =	wrdreg $0x60  }
0xb1: {  	[dreg:$0x2] =	wrdreg s19  }
0xb2: {  	[dreg:$0x3] =	wrdreg s4  }
0xb3: {  	[dreg:$0x4] =	wrdreg s2  }
0xb4: {  	[dreg:$0x5] =	wrdreg s5  }
0xb5: {  	[dreg:$0x6] =	wrdreg $0x9  }
0xb6: {  	_ =	task.clear_ibuf [dreg:s10], $0x7FFFF;
	_ =	strace $0x90000046  }
0xb7: {  	s29 =	simm.s32 $0x9;
	_ =	strace $0x80000048  }
0xb8: {  	_ =	swait.ge [sflag:s29], $0x1  }
0xb9: {  	[sflag:s29] =	ssyncadd.s32 $0xFFFFFFFF  }
0xba: {  	_ =	strace $0x90000048  }
0xbb: {  	_ =	sfence  }
0xbc: {  	s30 =	sld [smem:$0x0];
	_ =	sdelay $0x2  }
0xbd: {  	s31 =	sshll.u32 s1, $0xD;
	s1 =	sshrl.u32 s1, $0x2  }
0xbe: {  	s3 =	sand.u32 $0x4000, s31;
	s1 =	sadd.s32 s1, s30  }
0xbf: {  	s0 =	sor.u32 s3, s0;
	s1 =	sshll.u32 s1, $0x11  }
0xc0: {  	s0 =	sor.u32 s1, s0  }
0xc1: {  	s0 =	sadd.s32 $0x8F2B, s0  }
0xc2: {  	[sflag:s0] =	ssyncadd.remote.s32 $0x1  }
0xc3: {  	_ =	sfence.sel $0xFFFF  }
0xc4: {  	[dreg:$0x0] =	wrdreg $0xFFFFFFFF;
	(pc) =	sbr.abs _section_cstart, $3  }
0xc5: {  	[dreg:$0x1] =	wrdreg $0xFFFFFFFF  }
0xc6: {  	_ =	task.clear_ibuf [dreg:s10], $0x2FFFF;
	_ =	strace $0x9FFFFFFF  }
0xc7: {  	(tm) =	ssettm $0x7FFFFFFF  }
tec
execute0_lowered:
.L_overlay_start_1:
0x0: {  	(tag) =	ssettag $0x1  }
0x1: {  	s0 =	rddreg [dreg:$0x0]  }
0x2: {  	s17 =	rddreg [dreg:$0x1]  }
0x3: {  	s2 =	rddreg [dreg:$0x2];
	s1 =	srdreg.scid  }
0x4: {  	s18 =	stileid.u32;
	s4 =	rddreg [dreg:$0x3]  }
0x5: {  	s3 =	simm.s32 $0x0;
	s19 =	simm.s32 $0x80;
	s8 =	simm.s32 $0x680  }
0x6: {  	s10 =	simm.s32 $0x700;
	s11 =	simm.s32 $0x1E0;
	s12 =	simm.s32 $0x780  }
0x7: {  	s13 =	simm.s32 $0x250;
	s14 =	simm.s32 $0x800;
	[dreg:$0x5] =	wrdreg s0  }
0x8: {  	s15 =	simm.s32 $0x2C0;
	s16 =	simm.s32 $0x880;
	[dreg:$0x6] =	wrdreg s17  }
0x9: {  	s1 =	sand.u32 $0x1, s1;
	s5 =	sshll.u32 s18, $0x1;
	[smem:$0x7FF] =	sst s3  }
0xa: {  	s18 =	simm.s32 $0x900;
	s5 =	sor.u32 s1, s5;
	s1 =	ssub.s32 $0x2, s1  }
0xb: {  	_ =	strace $0x80000047;
	[dreg:$0x8] =	wrdreg s19;
	s17 =	smul.u32 $0x300000, s5  }
0xc: {  	s19 =	simm.s32 $0x3A0;
	s6 =	sshrl.u32 s1, $0x1;
	s5 =	smul.u32 $0xC0, s5  }
0xd: {  	s1 =	ssub.s32 s1, s6;
	s6 =	simm.s32 $0x68;
	s20 =	sor.u32 $0x40000, s17  }
0xe: {  	s21 =	sor.u32 $0x80000, s17;
	s22 =	sor.u32 $0xC0000, s17;
	s23 =	sadd.s32 $0x100000, s17  }
0xf: {  	s24 =	sadd.s32 $0x140000, s17;
	s25 =	sadd.s32 $0x180000, s17;
	s26 =	sadd.s32 $0x1C0000, s17  }
0x10: {  	s28 =	sadd.s32 $0x200000, s17;
	s29 =	sadd.s32 $0x240000, s17;
	s4 =	sadd.s32 s4, s5  }
0x11: {  	s30 =	sadd.s32 $0x280000, s17;
	s31 =	sadd.s32 $0x2C0000, s17;
	s5 =	simm.s32 $0x1  }
0x12: {  	v0 =	vmov s17;
	s17 =	simm.s32 $0x330;
	[dreg:$0x7] =	wrdreg s4;
	s4 =	smax.u32 s1, $0x1  }
0x13: {  	v1 =	vmov s20;
	v2 =	vmov s21;
	v3 =	vmov s22;
	s20 =	simm.s32 $0x980;
	s21 =	simm.s32 $0x410;
	s22 =	simm.s32 $0xA00  }
0x14: {  	v4 =	vmov s23;
	v5 =	vmov s24;
	v6 =	vmov s25;
	s23 =	simm.s32 $0x480;
	s24 =	simm.s32 $0xA80;
	s25 =	simm.s32 $0x4F0  }
0x15: {  	v7 =	vmov s26;
	v8 =	vmov s28;
	v9 =	vmov s29;
	s26 =	simm.s32 $0xB00;
	s28 =	simm.s32 $0x560;
	s29 =	simm.s32 $0xB80  }
0x16: {  	vm0 =	vmmov $0xf;
	v10 =	vmov s30;
	v11 =	vmov s31;
	s30 =	simm.s32 $0x5D0;
	s31 =	simm.s32 $0xC00;
	s1 =	simm.s32 $0x2  }
.LBB2_1:
0x17: {  	s0 =	rddreg [dreg:$0x5]  }
0x18: {  	s7 =	rddreg [dreg:$0x6]  }
0x19: {  	[tilespmem:s3], [sflag:$0x1] =	stream.linear.gather [hbm4b:s0+s3], $0x64, $0x38;
	[tilespmem:$0xC80] =	vst v63  }
0x1a: {  	s9 =	rddreg [dreg:$0x8]  }
0x1b: {  	[tilespmem:s9], [sflag:$0x1] =	stream.linear.gather [hbm4b:s7+s3], $0x64, $0x38;
	[tilespmem:$0xC80] =	vst v63  }
0x1c: {  	_ =	swait.ge [sflag:s5], $0x64  }
0x1d: {  	[sflag:s5] =	ssyncset.done $0x0  }
0x1e: {  	[sflag:s5] =	ssyncadd.s32 $0xFFFFFF9C  }
0x1f: {  	_ =	swait.ge [sflag:s5], $0x64  }
0x20: {  	[sflag:s5] =	ssyncset.done $0x0  }
0x21: {  	[sflag:s5] =	ssyncadd.s32 $0xFFFFFF9C  }
0x22: {  	v12 =	vld [tilespmem:$0x0]  }
0x23: {  	v13 =	vld [tilespmem:$0x80]  }
0x24: {  	v14 =	vld [tilespmem:$0x10]  }
0x25: {  	v15 =	vld [tilespmem:$0x90]  }
0x26: {  	v18 =	vld [tilespmem:$0x20]  }
0x27: {  	v19 =	vld [tilespmem:$0xA0]  }
0x28: {  	v20 =	vld [tilespmem:$0x30]  }
0x29: {  	v21 =	vld [tilespmem:$0xB0];
	v16 =	vshll.u32 v12, $0x9;
	v17 =	vshll.u32 v13, $0x3  }
0x2a: {  	v23 =	vld [tilespmem:$0xC0];
	v12 =	vshll.u32 v12, $0x7;
	v34 =	vshll.u32 v14, $0x9;
	v35 =	vshll.u32 v15, $0x3  }
0x2b: {  	v13 =	vand.u32 $0x7F, v13;
	v14 =	vshll.u32 v14, $0x7;
	v37 =	vshll.u32 v18, $0x9  }
0x2c: {  	v38 =	vshll.u32 v19, $0x3;
	v39 =	vand.u32 $0x7F, v15;
	v41 =	vshll.u32 v18, $0x7  }
0x2d: {  	v42 =	vshll.u32 v20, $0x9;
	v16 =	vand.u32 $0xFFFFF000, v16;
	v17 =	vand.u32 $0xFFFFFC00, v17  }
0x2e: {  	v43 =	vshll.u32 v21, $0x3;
	v12 =	vand.u32 $0x380, v12;
	v16 =	vadd.s32 v16, v17  }
0x2f: {  	v47 =	vshll.u32 v20, $0x7;
	v49 =	vshll.u32 v23, $0x3;
	v12 =	vor.u32 v12, v16  }
0x30: {  	v53 =	vand.u32 $0x7F, v23;
	v14 =	vand.u32 $0x380, v14;
	v12 =	vor.u32 v13, v12  }
0x31: {  	v17 =	vand.u32 $0xFFFFFC00, v35;
	v16 =	vand.u32 $0xFFFFF000, v34;
	v61 =	vadd.s32 v0, v12  }
0x32: {  	v18 =	vand.u32 $0xFFFFFC00, v43;
	v36 =	vadd.s32 v16, v17;
	v31 =	vadd.s32 v1, v12;
	[tilespmem:$0x100] =	vst v61  }
0x33: {  	v17 =	vand.u32 $0xFFFFFC00, v38;
	v13 =	vor.u32 v14, v36;
	v38 =	vadd.s32 v2, v12;
	[tilespmem:$0x170] =	vst v31  }
0x34: {  	v46 =	vld [tilespmem:$0x50];
	v16 =	vand.u32 $0xFFFFF000, v37;
	v23 =	vadd.s32 v6, v12;
	v13 =	vor.u32 v39, v13;
	[tilespmem:$0x1E0] =	vst v38  }
0x35: {  	v24 =	vld [tilespmem:$0xD0];
	v40 =	vadd.s32 v16, v17;
	v16 =	vand.u32 $0x380, v41;
	[tilespmem:$0x3A0] =	vst v23;
	v62 =	vadd.s32 v0, v13  }
0x36: {  	v17 =	vand.u32 $0xFFFFF000, v42;
	v44 =	vor.u32 v16, v40;
	v32 =	vadd.s32 v1, v13;
	[tilespmem:$0x110] =	vst v62  }
0x37: {  	v45 =	vadd.s32 v17, v18;
	v16 =	vand.u32 $0x380, v47;
	v39 =	vadd.s32 v2, v13;
	[tilespmem:$0x180] =	vst v32  }
0x38: {  	v25 =	vld [tilespmem:$0x60];
	v16 =	vor.u32 v16, v45;
	v45 =	vadd.s32 v3, v12;
	[tilespmem:$0x1F0] =	vst v39  }
0x39: {  	v54 =	vshll.u32 v46, $0x9;
	v17 =	vshll.u32 v46, $0x7;
	v46 =	vadd.s32 v3, v13;
	[tilespmem:$0x250] =	vst v45  }
0x3a: {  	v55 =	vshll.u32 v24, $0x3;
	v26 =	vand.u32 $0x7F, v24;
	v24 =	vadd.s32 v6, v13;
	[tilespmem:$0x260] =	vst v46  }
0x3b: {  	v19 =	vand.u32 $0x7F, v19;
	v31 =	vadd.s32 v7, v13;
	[tilespmem:$0x3B0] =	vst v24  }
0x3c: {  	v51 =	vld [tilespmem:$0xE0];
	v15 =	vor.u32 v19, v44;
	v38 =	vadd.s32 v8, v13;
	[tilespmem:$0x420] =	vst v31  }
0x3d: {  	v58 =	vshll.u32 v25, $0x9;
	v60 =	vshll.u32 v25, $0x7;
	v25 =	vadd.s32 v0, v15;
	[tilespmem:$0x490] =	vst v38  }
0x3e: {  	v33 =	vadd.s32 v1, v15;
	[tilespmem:$0x120] =	vst v25  }
0x3f: {  	v40 =	vadd.s32 v2, v15;
	[tilespmem:$0x190] =	vst v33  }
0x40: {  	v21 =	vand.u32 $0x7F, v21;
	v47 =	vadd.s32 v3, v15;
	[tilespmem:$0x200] =	vst v40  }
0x41: {  	v59 =	vshll.u32 v51, $0x3;
	v56 =	vand.u32 $0xFFFFF000, v54;
	v54 =	vadd.s32 v4, v15;
	[tilespmem:$0x270] =	vst v47  }
0x42: {  	v14 =	vor.u32 v21, v16;
	v21 =	vand.u32 $0xFFFFFC00, v59;
	v59 =	vadd.s32 v5, v12;
	[tilespmem:$0x2E0] =	vst v54  }
0x43: {  	v22 =	vld [tilespmem:$0x40];
	v61 =	vadd.s32 v5, v15;
	[tilespmem:$0x330] =	vst v59  }
0x44: {  	v32 =	vadd.s32 v7, v15;
	[tilespmem:$0x350] =	vst v61  }
0x45: {  	v39 =	vadd.s32 v8, v15;
	[tilespmem:$0x430] =	vst v32  }
0x46: {  	v45 =	vadd.s32 v9, v13;
	[tilespmem:$0x4A0] =	vst v39  }
0x47: {  	v46 =	vadd.s32 v9, v15;
	[tilespmem:$0x500] =	vst v45  }
0x48: {  	v48 =	vshll.u32 v22, $0x9;
	v50 =	vshll.u32 v22, $0x7;
	v27 =	vadd.s32 v0, v14;
	[tilespmem:$0x510] =	vst v46  }
0x49: {  	v20 =	vand.u32 $0xFFFFFC00, v49;
	v18 =	vand.u32 $0xFFFFF000, v48;
	v34 =	vadd.s32 v1, v14;
	[tilespmem:$0x130] =	vst v27  }
0x4a: {  	v22 =	vand.u32 $0x380, v50;
	v18 =	vadd.s32 v18, v20;
	v41 =	vadd.s32 v2, v14;
	[tilespmem:$0x1A0] =	vst v34  }
0x4b: {  	v52 =	vor.u32 v22, v18;
	v48 =	vadd.s32 v3, v14;
	[tilespmem:$0x210] =	vst v41  }
0x4c: {  	v16 =	vor.u32 v53, v52;
	v52 =	vadd.s32 v4, v12;
	[tilespmem:$0x280] =	vst v48  }
0x4d: {  	v53 =	vadd.s32 v4, v13;
	[tilespmem:$0x2C0] =	vst v52  }
0x4e: {  	v57 =	vand.u32 $0xFFFFFC00, v55;
	v19 =	vand.u32 $0xFFFFF000, v58;
	v55 =	vadd.s32 v4, v14;
	[tilespmem:$0x2D0] =	vst v53  }
0x4f: {  	v19 =	vadd.s32 v19, v21;
	v21 =	vand.u32 $0x380, v60;
	v60 =	vadd.s32 v5, v13;
	[tilespmem:$0x2F0] =	vst v55  }
0x50: {  	v62 =	vadd.s32 v5, v14;
	[tilespmem:$0x340] =	vst v60  }
0x51: {  	v25 =	vadd.s32 v6, v15;
	[tilespmem:$0x360] =	vst v62  }
0x52: {  	v33 =	vadd.s32 v7, v14;
	[tilespmem:$0x3C0] =	vst v25  }
0x53: {  	v40 =	vadd.s32 v8, v14;
	[tilespmem:$0x440] =	vst v33  }
0x54: {  	v47 =	vadd.s32 v9, v14;
	[tilespmem:$0x4B0] =	vst v40  }
0x55: {  	v54 =	vadd.s32 v10, v14;
	[tilespmem:$0x520] =	vst v47  }
0x56: {  	v59 =	vadd.s32 v11, v15;
	[tilespmem:$0x590] =	vst v54  }
0x57: {  	v28 =	vadd.s32 v0, v16;
	[tilespmem:$0x5F0] =	vst v59  }
0x58: {  	v35 =	vadd.s32 v1, v16;
	[tilespmem:$0x140] =	vst v28  }
0x59: {  	v42 =	vadd.s32 v2, v16;
	[tilespmem:$0x1B0] =	vst v35  }
0x5a: {  	v17 =	vand.u32 $0x380, v17;
	v18 =	vadd.s32 v56, v57;
	v49 =	vadd.s32 v3, v16;
	[tilespmem:$0x220] =	vst v42  }
0x5b: {  	v17 =	vor.u32 v17, v18;
	v56 =	vadd.s32 v4, v16;
	[tilespmem:$0x290] =	vst v49  }
0x5c: {  	v17 =	vor.u32 v26, v17;
	v26 =	vadd.s32 v6, v14;
	[tilespmem:$0x300] =	vst v56  }
0x5d: {  	v27 =	vadd.s32 v6, v16;
	[tilespmem:$0x3D0] =	vst v26  }
0x5e: {  	v34 =	vadd.s32 v7, v16;
	[tilespmem:$0x3E0] =	vst v27  }
0x5f: {  	v41 =	vadd.s32 v8, v16;
	[tilespmem:$0x450] =	vst v34  }
0x60: {  	v48 =	vadd.s32 v9, v16;
	[tilespmem:$0x4C0] =	vst v41  }
0x61: {  	v52 =	vadd.s32 v10, v13;
	[tilespmem:$0x530] =	vst v48  }
0x62: {  	v53 =	vadd.s32 v10, v15;
	[tilespmem:$0x570] =	vst v52  }
0x63: {  	v55 =	vadd.s32 v10, v16;
	[tilespmem:$0x580] =	vst v53  }
0x64: {  	v60 =	vadd.s32 v11, v14;
	[tilespmem:$0x5A0] =	vst v55  }
0x65: {  	v61 =	vadd.s32 v11, v16;
	[tilespmem:$0x600] =	vst v60  }
0x66: {  	v29 =	vadd.s32 v0, v17;
	[tilespmem:$0x610] =	vst v61  }
0x67: {  	v36 =	vadd.s32 v1, v17;
	[tilespmem:$0x150] =	vst v29  }
0x68: {  	v43 =	vadd.s32 v2, v17;
	[tilespmem:$0x1C0] =	vst v36  }
0x69: {  	v50 =	vadd.s32 v3, v17;
	[tilespmem:$0x230] =	vst v43  }
0x6a: {  	v20 =	vand.u32 $0x7F, v51;
	v63 =	vor.u32 v21, v19;
	v57 =	vadd.s32 v4, v17;
	[tilespmem:$0x2A0] =	vst v50  }
0x6b: {  	v18 =	vor.u32 v20, v63;
	v63 =	vadd.s32 v5, v16;
	[tilespmem:$0x310] =	vst v57  }
0x6c: {  	v21 =	vadd.s32 v5, v17;
	[tilespmem:$0x370] =	vst v63  }
0x6d: {  	v28 =	vadd.s32 v6, v17;
	[tilespmem:$0x380] =	vst v21  }
0x6e: {  	v35 =	vadd.s32 v7, v17;
	[tilespmem:$0x3F0] =	vst v28  }
0x6f: {  	v42 =	vadd.s32 v8, v17;
	[tilespmem:$0x460] =	vst v35  }
0x70: {  	v49 =	vadd.s32 v9, v17;
	[tilespmem:$0x4D0] =	vst v42  }
0x71: {  	v56 =	vadd.s32 v10, v17;
	[tilespmem:$0x540] =	vst v49  }
0x72: {  	v62 =	vadd.s32 v11, v17;
	v18 =	vnsel vm0, $0x0, v18;
	[tilespmem:$0x5B0] =	vst v56  }
0x73: {  	[tilespmem:$0x620] =	vst v62;
	v30 =	vadd.s32 v0, v18  }
0x74: {  	v37 =	vadd.s32 v1, v18;
	[tilespmem:$0x160] =	vst v30  }
0x75: {  	v44 =	vadd.s32 v2, v18;
	[tilespmem:$0x1D0] =	vst v37  }
0x76: {  	v51 =	vadd.s32 v3, v18;
	[tilespmem:$0x240] =	vst v44  }
0x77: {  	v58 =	vadd.s32 v4, v18;
	[tilespmem:$0x2B0] =	vst v51  }
0x78: {  	v22 =	vadd.s32 v5, v18;
	[tilespmem:$0x320] =	vst v58  }
0x79: {  	v29 =	vadd.s32 v6, v18;
	[tilespmem:$0x390] =	vst v22  }
0x7a: {  	v36 =	vadd.s32 v7, v18;
	[tilespmem:$0x400] =	vst v29  }
0x7b: {  	v43 =	vadd.s32 v8, v18;
	[tilespmem:$0x470] =	vst v36  }
0x7c: {  	v50 =	vadd.s32 v9, v18;
	[tilespmem:$0x4E0] =	vst v43  }
0x7d: {  	v57 =	vadd.s32 v10, v18;
	[tilespmem:$0x550] =	vst v50  }
0x7e: {  	v63 =	vadd.s32 v11, v18;
	[tilespmem:$0x5C0] =	vst v57  }
0x7f: {  	v30 =	vadd.s32 v7, v12;
	[tilespmem:$0x630] =	vst v63  }
0x80: {  	v37 =	vadd.s32 v8, v12;
	[tilespmem:$0x410] =	vst v30  }
0x81: {  	v44 =	vadd.s32 v9, v12;
	[tilespmem:$0x480] =	vst v37  }
0x82: {  	v51 =	vadd.s32 v10, v12;
	[tilespmem:$0x4F0] =	vst v44  }
0x83: {  	v12 =	vadd.s32 v11, v12;
	[tilespmem:$0x560] =	vst v51  }
0x84: {  	v58 =	vadd.s32 v11, v13;
	[tilespmem:$0x5D0] =	vst v12  }
0x85: {  	s9 =	simm.s32 $0x100;
	[tilespmem:$0x5E0] =	vst v58  }
0x86: {  	[tilespmem:s8], [sflag:$0x1] =	stream.indirect.gather [hbm4b:s2+s6], $0x1, s9, s6, $0xb8;
	[tilespmem:$0xC80] =	vst v63  }
0x87: {  	s7 =	simm.s32 $0x170  }
0x88: {  	[tilespmem:s10], [sflag:$0x1] =	stream.indirect.gather [hbm4b:s2+s6], $0x1, s7, s6, $0xb8;
	[tilespmem:$0xC80] =	vst v63  }
0x89: {  	_ = 	snop  }
0x8a: {  	[tilespmem:s12], [sflag:$0x1] =	stream.indirect.gather [hbm4b:s2+s6], $0x1, s11, s6, $0xb8;
	[tilespmem:$0xC80] =	vst v63  }
0x8b: {  	_ = 	snop  }
0x8c: {  	[tilespmem:s14], [sflag:$0x1] =	stream.indirect.gather [hbm4b:s2+s6], $0x1, s13, s6, $0xb8;
	[tilespmem:$0xC80] =	vst v63  }
0x8d: {  	_ = 	snop  }
0x8e: {  	[tilespmem:s16], [sflag:$0x1] =	stream.indirect.gather [hbm4b:s2+s6], $0x1, s15, s6, $0xb8;
	[tilespmem:$0xC80] =	vst v63  }
0x8f: {  	_ = 	snop  }
0x90: {  	[tilespmem:s18], [sflag:$0x1] =	stream.indirect.gather [hbm4b:s2+s6], $0x1, s17, s6, $0xb8;
	[tilespmem:$0xC80] =	vst v63  }
0x91: {  	_ = 	snop  }
0x92: {  	[tilespmem:s20], [sflag:$0x1] =	stream.indirect.gather [hbm4b:s2+s6], $0x1, s19, s6, $0xb8;
	[tilespmem:$0xC80] =	vst v63  }
0x93: {  	_ = 	snop  }
0x94: {  	[tilespmem:s22], [sflag:$0x1] =	stream.indirect.gather [hbm4b:s2+s6], $0x1, s21, s6, $0xb8;
	[tilespmem:$0xC80] =	vst v63  }
0x95: {  	_ = 	snop  }
0x96: {  	[tilespmem:s24], [sflag:$0x1] =	stream.indirect.gather [hbm4b:s2+s6], $0x1, s23, s6, $0xb8;
	[tilespmem:$0xC80] =	vst v63  }
0x97: {  	_ = 	snop  }
0x98: {  	[tilespmem:s26], [sflag:$0x1] =	stream.indirect.gather [hbm4b:s2+s6], $0x1, s25, s6, $0xb8;
	[tilespmem:$0xC80] =	vst v63  }
0x99: {  	_ = 	snop  }
0x9a: {  	[tilespmem:s29], [sflag:$0x1] =	stream.indirect.gather [hbm4b:s2+s6], $0x1, s28, s6, $0xb8;
	[tilespmem:$0xC80] =	vst v63  }
0x9b: {  	_ = 	snop  }
0x9c: {  	[tilespmem:s31], [sflag:$0x1] =	stream.indirect.gather [hbm4b:s2+s6], $0x1, s30, s6, $0xb8;
	[tilespmem:$0xC80] =	vst v63  }
0x9d: {  	_ =	swait.ge [sflag:s5], $0x68  }
0x9e: {  	[sflag:s5] =	ssyncset.done $0x0  }
0x9f: {  	[sflag:s5] =	ssyncadd.s32 $0xFFFFFF98  }
0xa0: {  	_ =	swait.ge [sflag:s5], $0x68  }
0xa1: {  	[sflag:s5] =	ssyncset.done $0x0  }
0xa2: {  	[sflag:s5] =	ssyncadd.s32 $0xFFFFFF98  }
0xa3: {  	_ =	swait.ge [sflag:s5], $0x68  }
0xa4: {  	[sflag:s5] =	ssyncset.done $0x0  }
0xa5: {  	[sflag:s5] =	ssyncadd.s32 $0xFFFFFF98  }
0xa6: {  	_ =	swait.ge [sflag:s5], $0x68  }
0xa7: {  	[sflag:s5] =	ssyncset.done $0x0  }
0xa8: {  	[sflag:s5] =	ssyncadd.s32 $0xFFFFFF98  }
0xa9: {  	_ =	swait.ge [sflag:s5], $0x68  }
0xaa: {  	[sflag:s5] =	ssyncset.done $0x0  }
0xab: {  	[sflag:s5] =	ssyncadd.s32 $0xFFFFFF98  }
0xac: {  	_ =	swait.ge [sflag:s5], $0x68  }
0xad: {  	[sflag:s5] =	ssyncset.done $0x0  }
0xae: {  	[sflag:s5] =	ssyncadd.s32 $0xFFFFFF98  }
0xaf: {  	_ =	swait.ge [sflag:s5], $0x68  }
0xb0: {  	[sflag:s5] =	ssyncset.done $0x0  }
0xb1: {  	[sflag:s5] =	ssyncadd.s32 $0xFFFFFF98  }
0xb2: {  	_ =	swait.ge [sflag:s5], $0x68  }
0xb3: {  	[sflag:s5] =	ssyncset.done $0x0  }
0xb4: {  	[sflag:s5] =	ssyncadd.s32 $0xFFFFFF98  }
0xb5: {  	_ =	swait.ge [sflag:s5], $0x68  }
0xb6: {  	[sflag:s5] =	ssyncset.done $0x0  }
0xb7: {  	[sflag:s5] =	ssyncadd.s32 $0xFFFFFF98  }
0xb8: {  	_ =	swait.ge [sflag:s5], $0x68  }
0xb9: {  	[sflag:s5] =	ssyncset.done $0x0  }
0xba: {  	[sflag:s5] =	ssyncadd.s32 $0xFFFFFF98  }
0xbb: {  	_ =	swait.ge [sflag:s5], $0x68  }
0xbc: {  	[sflag:s5] =	ssyncset.done $0x0  }
0xbd: {  	[sflag:s5] =	ssyncadd.s32 $0xFFFFFF98  }
0xbe: {  	_ =	swait.ge [sflag:s5], $0x68  }
0xbf: {  	p0 =	sne.s32 s4, $0x1;
	[sflag:s5] =	ssyncset.done $0x0  }
.Ltmp0:
0xc0: {  	s9 =	rddreg [dreg:$0x7];
	[sflag:s5] =	ssyncadd.s32 $0xFFFFFF98;
	(pc) =	sbr.rel @p0 .LBB2_1-.Ltmp0, $4  }
0xc1: {  	[hbm4b:s9+s3] =	stream.linear.scatter [tilespmem:s8], [sflag:$0x2], $0x600, $0x38;
	[tilespmem:$0xC80] =	vst v63  }
0xc2: {  	_ =	swait.ge [sflag:s1], $0x600  }
0xc3: {  	[sflag:s1] =	ssyncset.done $0x0  }
0xc4: {  	s4 =	sadd.s32 $0xFFFFFFFF, s4;
	[sflag:s1] =	ssyncadd.s32 $0xFFFFFA00  }
0xc5: {  	_ =	sfence.sel $0x180000  }
0xc6: {  	[bflag:$0x0] =	sbarrier.arrive $0xFFFF  }
0xc7: {  	_ =	strace $0x90000047  }
0xc8: {  	s0 =	stileid.u32;
	[bflag:$0x2] =	sbarrier.arrive $0xFFFF  }
0xc9: {  	p0 =	sne.s32 s0, $0x0;
	s0 =	rddreg [dreg:$0x4]  }
0xca: {  	s0 =	sadd.s32 @!p0 $0x100000, s0  }
0xcb: {  	[sflag:s0] =	ssyncadd.tile.s32 @!p0 $0x1;
	_ =	shalt  }
.Lfunc_end2:
_tile_overlayer_lowered:
.L_overlay_start_2:
0xcc: {  	(tag) =	ssettag $0x2  }
0xcd: {  	s0 =	rddreg [dreg:$0x0];
	s2 =	stileid.u32  }
0xce: {  	s1 =	rddreg [dreg:$0x1];
	p0 =	sne.s32 s2, $0x0  }
0xcf: {  	s3 =	rddreg [dreg:$0x2];
	[bflag:$0x3] =	sbarrier.arrive $0xFFFF;
	s2 =	simm.s32 @!p0 $0x1C02  }
0xd0: {  	[timem:s3], [sflag:s2] =	dma.local @!p0 [hbm:s0], s1  }
0xd1: {  	s0 =	simm.s32 @!p0 $0x2  }
0xd2: {  	_ =	swait.ge @!p0 [sflag:s0], s1  }
0xd3: {  	s1 =	ssub.s32 @!p0 $0x0, s1;
	[sflag:s0] =	ssyncset.done @!p0 $0x0  }
0xd4: {  	[sflag:s0] =	ssyncadd.s32 @!p0 s1  }
0xd5: {  	[bflag:$0x3] =	sbarrier.arrive $0xFFFF  }
0xd6: {  	_ =	shalt  }

</sc_bundles>
